<compile_context>
chip_gen: v7x
topology: tpu7x:2x2x1
jax: 0.10.2.dev20260603
libtpu: 0.0.44.dev20260713+nightly
codegen_flags: <defaults>
</compile_context>

<pallas_src>
import functools

import jax
import jax.numpy as jnp
from jax import lax
from jax.experimental import pallas as pl
from jax.experimental.pallas import tpu as pltpu
from jax.experimental.pallas import tpu_sc as plsc

NC = 2
NS = 16
NW = NC * NS

CHUNK = 64
NBUF = 2


def _proj_body(table_ref, w_ref, b_ref, out_ref):
    out_ref[...] = lax.dot_general(
        table_ref[...], w_ref[...],
        dimension_numbers=(((1,), (1,)), ((), ())),
        preferred_element_type=jnp.float32,
    ) + b_ref[...]


def _project_table(table, W, b):
    V, _ = table.shape
    D = W.shape[0]
    return pl.pallas_call(
        _proj_body,
        out_shape=jax.ShapeDtypeStruct((V, D), jnp.float32),
    )(table, W, b[None, :])


def _sc_gather(ptab, idx, n_total, d_model):
    b_per_w = n_total // NW
    n_chunks = b_per_w // CHUNK
    mesh = plsc.VectorSubcoreMesh(core_axis_name="c", subcore_axis_name="s")

    @functools.partial(
        pl.kernel,
        out_type=jax.ShapeDtypeStruct((n_total, d_model), jnp.float32),
        mesh=mesh,
        scratch_types=[
            pltpu.VMEM((n_chunks, CHUNK), jnp.int32),
            pltpu.VMEM((CHUNK, d_model), jnp.float32),
            pltpu.VMEM((CHUNK, d_model), jnp.float32),
            pltpu.SemaphoreType.DMA,
            pltpu.SemaphoreType.DMA,
            pltpu.SemaphoreType.DMA,
            pltpu.SemaphoreType.DMA,
        ],
    )
    def gather_kernel(ptab_hbm, idx_hbm, out_hbm, idx_v, rows0, rows1,
                      sg0, sg1, ss0, ss1):
        sid = lax.axis_index("s")
        wid = sid * NC + lax.axis_index("c")
        pltpu.sync_copy(idx_hbm.at[wid], idx_v)
        base = wid * b_per_w
        bufs = (rows0, rows1)
        gsems = (sg0, sg1)
        ssems = (ss0, ss1)

        for b_ in range(NBUF):
            pltpu.async_copy(ptab_hbm.at[idx_v.at[b_]], bufs[b_], gsems[b_])

        @pl.loop(0, n_chunks, step=NBUF)
        def _loop(j0):
            for b_ in range(NBUF):
                j = j0 + b_
                buf, sg, ss = bufs[b_], gsems[b_], ssems[b_]
                out_slc = out_hbm.at[pl.ds(base + j * CHUNK, CHUNK)]
                pltpu.make_async_copy(ptab_hbm.at[idx_v.at[j]], buf, sg).wait()
                pltpu.async_copy(buf, out_slc, ss)
                @pl.when(j + NBUF < n_chunks)
                def _():
                    pltpu.make_async_copy(buf, out_slc, ss).wait()
                    pltpu.async_copy(ptab_hbm.at[idx_v.at[j + NBUF]], buf, sg)

        for b_ in range(NBUF):
            j = n_chunks - NBUF + b_
            pltpu.make_async_copy(
                bufs[b_], out_hbm.at[pl.ds(base + j * CHUNK, CHUNK)],
                ssems[b_]).wait()

    return gather_kernel(ptab, idx.reshape(NW, n_chunks, CHUNK))


def kernel(src, table, W, b):
    B, S = src.shape
    D = W.shape[0]
    V = table.shape[0]
    v_pad = ((V + 2 * CHUNK - 1) // (2 * CHUNK)) * (2 * CHUNK)
    table_p = jnp.pad(table, ((0, v_pad - V), (0, 0)))
    ptab = _project_table(table_p, W, b)
    flat_idx = src.reshape(-1).astype(jnp.int32)
    out = _sc_gather(ptab, flat_idx, B * S, D)
    return out.reshape(B, S, D)

# --- scband reference (transcript-rebuilt; emitter-appended) ---
"""Pipeline reference for scband-embedder-4741643895085 (READ-ONLY COPY).

The authoritative reference and input builder live on the scoring server;
editing this copy changes nothing except your own understanding.
"""

import jax, jax.numpy as jnp
import numpy as np

D_MODEL = 512
N_ELEM = 118
FEAT = 200
VOCAB = N_ELEM + 1 + 3  # zeros row + elements + 3 cpd rows = 122
BATCH = 16384
SEQ = 20


def setup_inputs(seed: int = 0) -> dict:
    key = jax.random.key(seed)
    k1, k2, k3, k4 = jax.random.split(key, 4)
    src = jax.random.randint(k1, (BATCH, SEQ), 0, VOCAB, dtype=jnp.int64 if jax.config.jax_enable_x64 else jnp.int32)
    # mat2vec cbfv table (stand-in for the csv contents)
    cbfv = jax.random.normal(k2, (N_ELEM, FEAT), dtype=jnp.float32)
    cpd = jax.random.normal(k3, (3, FEAT), dtype=jnp.float32) / np.sqrt(FEAT)
    zeros = jnp.zeros((1, FEAT), dtype=jnp.float32)
    table = jnp.concatenate([zeros, cbfv, cpd], axis=0)  # [122, 200]
    # fc_mat2vec: torch Linear(feat_size, d_model) -> weight [d_model, feat], bias [d_model]
    bound = 1.0 / np.sqrt(FEAT)
    W = jax.random.uniform(k4, (D_MODEL, FEAT), minval=-bound, maxval=bound, dtype=jnp.float32)
    b = jnp.zeros((D_MODEL,), dtype=jnp.float32)
    return {"src": src, "table": table, "W": W, "b": b}


def reference(src, table, W, b):
    # mat2vec_emb = self.cbfv(src)  -> embedding gather
    mat2vec_emb = jnp.take(table, src, axis=0)           # [B, S, FEAT]
    # x_emb = self.fc_mat2vec(mat2vec_emb)
    x_emb = mat2vec_emb @ W.T + b                        # [B, S, D_MODEL]
    return x_emb

if __name__ == "__main__":
    import jax
    _d = setup_inputs()
    print(jax.jit(kernel)(*tuple(_d.values())))

</pallas_src>

<mosaic_0001>
#map = affine_map<(d0, d1) -> (0, 0)>
#map1 = affine_map<(d0, d1) -> (0, 0, 0)>
module attributes {stable_mosaic.version = 14 : i64} {
  func.func @gather_kernel(%arg0: i32, %arg1: i32, %arg2: memref<128x512xf32, #tpu.memory_space<hbm>>, %arg3: memref<32x160x64xi32, #tpu.memory_space<hbm>>, %arg4: memref<327680x512xf32, #tpu.memory_space<hbm>>, %arg5: memref<160x64xi32, #tpu.memory_space<vmem>>, %arg6: memref<64x512xf32, #tpu.memory_space<vmem>>, %arg7: memref<64x512xf32, #tpu.memory_space<vmem>>, %arg8: memref<!tpu.dma_semaphore, #tpu.memory_space<semaphore_mem>>, %arg9: memref<!tpu.dma_semaphore, #tpu.memory_space<semaphore_mem>>, %arg10: memref<!tpu.dma_semaphore, #tpu.memory_space<semaphore_mem>>, %arg11: memref<!tpu.dma_semaphore, #tpu.memory_space<semaphore_mem>>) attributes {dimension_semantics = [#tpu.dimension_semantics<core_parallel>, #tpu.dimension_semantics<subcore_parallel>], iteration_bounds = array<i64: 2, 16>, scalar_prefetch = 0 : i64, scratch_operands = 7 : i64, tpu.core_type = #tpu.core_type<sc_vector_subcore>, window_params = [{transform_indices = #map}, {transform_indices = #map1}, {transform_indices = #map}]} {
    %mul3A = arith.constant 2 : i32
    %mul3A_0 = arith.muli %arg1, %mul3A : i32
    %add3A = arith.addi %mul3A_0, %arg0 : i32
    "tpu.region"() ({
      %run_scoped3A = tpu.sem_alloc : memref<!tpu.dma_semaphore, #tpu.memory_space<semaphore_mem>>
      %dma_start3A_31 = arith.constant 0 : i32
      %dma_start3A_32 = arith.constant 0 : i32
      %dma_start3A_33 = tpu.memref_slice %arg3[%add3A, %dma_start3A_31, %dma_start3A_32] : memref<32x160x64xi32, #tpu.memory_space<hbm>> -> memref<1x160x64xi32, #tpu.memory_space<hbm>>
      %dma_start3A_34 = tpu.memref_squeeze %dma_start3A_33 : memref<1x160x64xi32, #tpu.memory_space<hbm>> -> memref<160x64xi32, #tpu.memory_space<hbm>>
      %dma_start3A_35 = arith.constant 0 : i32
      %dma_start3A_36 = arith.constant 0 : i32
      %dma_start3A_37 = tpu.memref_slice %arg3[%add3A, %dma_start3A_35, %dma_start3A_36] : memref<32x160x64xi32, #tpu.memory_space<hbm>> -> memref<1x160x64xi32, #tpu.memory_space<hbm>>
      %dma_start3A_38 = tpu.memref_squeeze %dma_start3A_37 : memref<1x160x64xi32, #tpu.memory_space<hbm>> -> memref<160x64xi32, #tpu.memory_space<hbm>>
      tpu.enqueue_dma source(%dma_start3A_38 : memref<160x64xi32, #tpu.memory_space<hbm>>) target(%arg5 : memref<160x64xi32, #tpu.memory_space<vmem>>) target_semaphore(%run_scoped3A : memref<!tpu.dma_semaphore, #tpu.memory_space<semaphore_mem>>)
      %dma_wait3A_39 = arith.constant 0 : i32
      %dma_wait3A_40 = arith.constant 0 : i32
      %dma_wait3A_41 = tpu.memref_slice %arg3[%add3A, %dma_wait3A_39, %dma_wait3A_40] : memref<32x160x64xi32, #tpu.memory_space<hbm>> -> memref<1x160x64xi32, #tpu.memory_space<hbm>>
      %dma_wait3A_42 = tpu.memref_squeeze %dma_wait3A_41 : memref<1x160x64xi32, #tpu.memory_space<hbm>> -> memref<160x64xi32, #tpu.memory_space<hbm>>
      %dma_wait3A_43 = arith.constant 0 : i32
      %dma_wait3A_44 = arith.constant 0 : i32
      %dma_wait3A_45 = tpu.memref_slice %arg3[%add3A, %dma_wait3A_43, %dma_wait3A_44] : memref<32x160x64xi32, #tpu.memory_space<hbm>> -> memref<1x160x64xi32, #tpu.memory_space<hbm>>
      %dma_wait3A_46 = tpu.memref_squeeze %dma_wait3A_45 : memref<1x160x64xi32, #tpu.memory_space<hbm>> -> memref<160x64xi32, #tpu.memory_space<hbm>>
      tpu.wait_dma2 semaphore(%run_scoped3A : memref<!tpu.dma_semaphore, #tpu.memory_space<semaphore_mem>>) src(%dma_wait3A_46 : memref<160x64xi32, #tpu.memory_space<hbm>>) dst(%arg5 : memref<160x64xi32, #tpu.memory_space<vmem>>)
      tpu.yield
    }) : () -> ()
    %mul3A_1 = arith.constant 10240 : i32
    %mul3A_2 = arith.muli %add3A, %mul3A_1 : i32
    %dma_start3A = arith.constant 0 : i32
    %dma_start3A_3 = arith.constant 0 : i32
    %dma_start3A_4 = tpu.memref_slice %arg5[%dma_start3A, %dma_start3A_3] : memref<160x64xi32, #tpu.memory_space<vmem>> -> memref<1x64xi32, #tpu.memory_space<vmem>>
    %dma_start3A_5 = tpu.memref_squeeze %dma_start3A_4 : memref<1x64xi32, #tpu.memory_space<vmem>> -> memref<64xi32, #tpu.memory_space<vmem>>
    %dma_start3A_6 = arith.constant 0 : i32
    %dma_start3A_7 = arith.constant 0 : i32
    %dma_start3A_8 = tpu.memref_slice %arg2[%dma_start3A_6, %dma_start3A_7] : memref<128x512xf32, #tpu.memory_space<hbm>> -> memref<128x512xf32, #tpu.memory_space<hbm>>
    tpu.enqueue_indirect_dma source(%dma_start3A_8 : memref<128x512xf32, #tpu.memory_space<hbm>>) target(%arg6 : memref<64x512xf32, #tpu.memory_space<vmem>>) offsets(%dma_start3A_5 : memref<64xi32, #tpu.memory_space<vmem>>) semaphore(%arg8 : memref<!tpu.dma_semaphore, #tpu.memory_space<semaphore_mem>>)
    %dma_start3A_9 = arith.constant 1 : i32
    %dma_start3A_10 = arith.constant 0 : i32
    %dma_start3A_11 = tpu.memref_slice %arg5[%dma_start3A_9, %dma_start3A_10] : memref<160x64xi32, #tpu.memory_space<vmem>> -> memref<1x64xi32, #tpu.memory_space<vmem>>
    %dma_start3A_12 = tpu.memref_squeeze %dma_start3A_11 : memref<1x64xi32, #tpu.memory_space<vmem>> -> memref<64xi32, #tpu.memory_space<vmem>>
    %dma_start3A_13 = arith.constant 0 : i32
    %dma_start3A_14 = arith.constant 0 : i32
    %dma_start3A_15 = tpu.memref_slice %arg2[%dma_start3A_13, %dma_start3A_14] : memref<128x512xf32, #tpu.memory_space<hbm>> -> memref<128x512xf32, #tpu.memory_space<hbm>>
    tpu.enqueue_indirect_dma source(%dma_start3A_15 : memref<128x512xf32, #tpu.memory_space<hbm>>) target(%arg7 : memref<64x512xf32, #tpu.memory_space<vmem>>) offsets(%dma_start3A_12 : memref<64xi32, #tpu.memory_space<vmem>>) semaphore(%arg9 : memref<!tpu.dma_semaphore, #tpu.memory_space<semaphore_mem>>)
    %scan3A = arith.constant 0 : i32
    %scan3A_16 = arith.constant 80 : i32
    %scan3A_17 = arith.addi %scan3A, %scan3A_16 : i32
    %scan3A_18 = arith.constant 1 : i32
    scf.for %scan3A_31 = %scan3A to %scan3A_17 step %scan3A_18  : i32 {
      %mul3A_32 = arith.constant 2 : i32
      %mul3A_33 = arith.muli %scan3A_31, %mul3A_32 : i32
      %add3A_34 = arith.constant 0 : i32
      %add3A_35 = arith.addi %add3A_34, %mul3A_33 : i32
      %add3A_36 = arith.constant 0 : i32
      %add3A_37 = arith.addi %add3A_35, %add3A_36 : i32
      %mul3A_38 = arith.constant 64 : i32
      %mul3A_39 = arith.muli %add3A_37, %mul3A_38 : i32
      %add3A_40 = arith.addi %mul3A_2, %mul3A_39 : i32
      %dma_wait3A_41 = arith.constant 0 : i32
      %dma_wait3A_42 = tpu.memref_slice %arg5[%add3A_37, %dma_wait3A_41] : memref<160x64xi32, #tpu.memory_space<vmem>> -> memref<1x64xi32, #tpu.memory_space<vmem>>
      %dma_wait3A_43 = tpu.memref_squeeze %dma_wait3A_42 : memref<1x64xi32, #tpu.memory_space<vmem>> -> memref<64xi32, #tpu.memory_space<vmem>>
      %dma_wait3A_44 = arith.constant 0 : i32
      %dma_wait3A_45 = arith.constant 0 : i32
      %dma_wait3A_46 = tpu.memref_slice %arg2[%dma_wait3A_44, %dma_wait3A_45] : memref<128x512xf32, #tpu.memory_space<hbm>> -> memref<128x512xf32, #tpu.memory_space<hbm>>
      tpu.wait_indirect_dma semaphore(%arg8 : memref<!tpu.dma_semaphore, #tpu.memory_space<semaphore_mem>>) src(%dma_wait3A_46 : memref<128x512xf32, #tpu.memory_space<hbm>>) dst(%arg6 : memref<64x512xf32, #tpu.memory_space<vmem>>)
      %dma_start3A_47 = arith.constant 0 : i32
      %dma_start3A_48 = tpu.memref_slice %arg4[%add3A_40, %dma_start3A_47] : memref<327680x512xf32, #tpu.memory_space<hbm>> -> memref<64x512xf32, #tpu.memory_space<hbm>>
      %dma_start3A_49 = arith.constant 0 : i32
      %dma_start3A_50 = tpu.memref_slice %arg4[%add3A_40, %dma_start3A_49] : memref<327680x512xf32, #tpu.memory_space<hbm>> -> memref<64x512xf32, #tpu.memory_space<hbm>>
      tpu.enqueue_dma source(%arg6 : memref<64x512xf32, #tpu.memory_space<vmem>>) target(%dma_start3A_50 : memref<64x512xf32, #tpu.memory_space<hbm>>) target_semaphore(%arg10 : memref<!tpu.dma_semaphore, #tpu.memory_space<semaphore_mem>>)
      %add3A_51 = arith.constant 2 : i32
      %add3A_52 = arith.addi %add3A_37, %add3A_51 : i32
      %lt3A = arith.constant 160 : i32
      %lt3A_53 = arith.cmpi slt, %add3A_52, %lt3A : i32
      %convert_element_type3A = arith.extui %lt3A_53 : i1 to i32
      %cond3A = arith.constant 0 : i32
      %cond3A_54 = arith.cmpi ne, %convert_element_type3A, %cond3A : i32
      scf.if %cond3A_54 {
        %dma_wait3A_77 = arith.constant 0 : i32
        %dma_wait3A_78 = tpu.memref_slice %arg4[%add3A_40, %dma_wait3A_77] : memref<327680x512xf32, #tpu.memory_space<hbm>> -> memref<64x512xf32, #tpu.memory_space<hbm>>
        %dma_wait3A_79 = arith.constant 0 : i32
        %dma_wait3A_80 = tpu.memref_slice %arg4[%add3A_40, %dma_wait3A_79] : memref<327680x512xf32, #tpu.memory_space<hbm>> -> memref<64x512xf32, #tpu.memory_space<hbm>>
        tpu.wait_dma2 semaphore(%arg10 : memref<!tpu.dma_semaphore, #tpu.memory_space<semaphore_mem>>) src(%arg6 : memref<64x512xf32, #tpu.memory_space<vmem>>) dst(%dma_wait3A_80 : memref<64x512xf32, #tpu.memory_space<hbm>>)
        %add3A_81 = arith.constant 2 : i32
        %add3A_82 = arith.addi %add3A_37, %add3A_81 : i32
        %dma_start3A_83 = arith.constant 0 : i32
        %dma_start3A_84 = tpu.memref_slice %arg5[%add3A_82, %dma_start3A_83] : memref<160x64xi32, #tpu.memory_space<vmem>> -> memref<1x64xi32, #tpu.memory_space<vmem>>
        %dma_start3A_85 = tpu.memref_squeeze %dma_start3A_84 : memref<1x64xi32, #tpu.memory_space<vmem>> -> memref<64xi32, #tpu.memory_space<vmem>>
        %dma_start3A_86 = arith.constant 0 : i32
        %dma_start3A_87 = arith.constant 0 : i32
        %dma_start3A_88 = tpu.memref_slice %arg2[%dma_start3A_86, %dma_start3A_87] : memref<128x512xf32, #tpu.memory_space<hbm>> -> memref<128x512xf32, #tpu.memory_space<hbm>>
        tpu.enqueue_indirect_dma source(%dma_start3A_88 : memref<128x512xf32, #tpu.memory_space<hbm>>) target(%arg6 : memref<64x512xf32, #tpu.memory_space<vmem>>) offsets(%dma_start3A_85 : memref<64xi32, #tpu.memory_space<vmem>>) semaphore(%arg8 : memref<!tpu.dma_semaphore, #tpu.memory_space<semaphore_mem>>)
      } else {
      }
      %add3A_55 = arith.constant 1 : i32
      %add3A_56 = arith.addi %add3A_35, %add3A_55 : i32
      %mul3A_57 = arith.constant 64 : i32
      %mul3A_58 = arith.muli %add3A_56, %mul3A_57 : i32
      %add3A_59 = arith.addi %mul3A_2, %mul3A_58 : i32
      %dma_wait3A_60 = arith.constant 0 : i32
      %dma_wait3A_61 = tpu.memref_slice %arg5[%add3A_56, %dma_wait3A_60] : memref<160x64xi32, #tpu.memory_space<vmem>> -> memref<1x64xi32, #tpu.memory_space<vmem>>
      %dma_wait3A_62 = tpu.memref_squeeze %dma_wait3A_61 : memref<1x64xi32, #tpu.memory_space<vmem>> -> memref<64xi32, #tpu.memory_space<vmem>>
      %dma_wait3A_63 = arith.constant 0 : i32
      %dma_wait3A_64 = arith.constant 0 : i32
      %dma_wait3A_65 = tpu.memref_slice %arg2[%dma_wait3A_63, %dma_wait3A_64] : memref<128x512xf32, #tpu.memory_space<hbm>> -> memref<128x512xf32, #tpu.memory_space<hbm>>
      tpu.wait_indirect_dma semaphore(%arg9 : memref<!tpu.dma_semaphore, #tpu.memory_space<semaphore_mem>>) src(%dma_wait3A_65 : memref<128x512xf32, #tpu.memory_space<hbm>>) dst(%arg7 : memref<64x512xf32, #tpu.memory_space<vmem>>)
      %dma_start3A_66 = arith.constant 0 : i32
      %dma_start3A_67 = tpu.memref_slice %arg4[%add3A_59, %dma_start3A_66] : memref<327680x512xf32, #tpu.memory_space<hbm>> -> memref<64x512xf32, #tpu.memory_space<hbm>>
      %dma_start3A_68 = arith.constant 0 : i32
      %dma_start3A_69 = tpu.memref_slice %arg4[%add3A_59, %dma_start3A_68] : memref<327680x512xf32, #tpu.memory_space<hbm>> -> memref<64x512xf32, #tpu.memory_space<hbm>>
      tpu.enqueue_dma source(%arg7 : memref<64x512xf32, #tpu.memory_space<vmem>>) target(%dma_start3A_69 : memref<64x512xf32, #tpu.memory_space<hbm>>) target_semaphore(%arg11 : memref<!tpu.dma_semaphore, #tpu.memory_space<semaphore_mem>>)
      %add3A_70 = arith.constant 2 : i32
      %add3A_71 = arith.addi %add3A_56, %add3A_70 : i32
      %lt3A_72 = arith.constant 160 : i32
      %lt3A_73 = arith.cmpi slt, %add3A_71, %lt3A_72 : i32
      %convert_element_type3A_74 = arith.extui %lt3A_73 : i1 to i32
      %cond3A_75 = arith.constant 0 : i32
      %cond3A_76 = arith.cmpi ne, %convert_element_type3A_74, %cond3A_75 : i32
      scf.if %cond3A_76 {
        %dma_wait3A_77 = arith.constant 0 : i32
        %dma_wait3A_78 = tpu.memref_slice %arg4[%add3A_59, %dma_wait3A_77] : memref<327680x512xf32, #tpu.memory_space<hbm>> -> memref<64x512xf32, #tpu.memory_space<hbm>>
        %dma_wait3A_79 = arith.constant 0 : i32
        %dma_wait3A_80 = tpu.memref_slice %arg4[%add3A_59, %dma_wait3A_79] : memref<327680x512xf32, #tpu.memory_space<hbm>> -> memref<64x512xf32, #tpu.memory_space<hbm>>
        tpu.wait_dma2 semaphore(%arg11 : memref<!tpu.dma_semaphore, #tpu.memory_space<semaphore_mem>>) src(%arg7 : memref<64x512xf32, #tpu.memory_space<vmem>>) dst(%dma_wait3A_80 : memref<64x512xf32, #tpu.memory_space<hbm>>)
        %add3A_81 = arith.constant 2 : i32
        %add3A_82 = arith.addi %add3A_56, %add3A_81 : i32
        %dma_start3A_83 = arith.constant 0 : i32
        %dma_start3A_84 = tpu.memref_slice %arg5[%add3A_82, %dma_start3A_83] : memref<160x64xi32, #tpu.memory_space<vmem>> -> memref<1x64xi32, #tpu.memory_space<vmem>>
        %dma_start3A_85 = tpu.memref_squeeze %dma_start3A_84 : memref<1x64xi32, #tpu.memory_space<vmem>> -> memref<64xi32, #tpu.memory_space<vmem>>
        %dma_start3A_86 = arith.constant 0 : i32
        %dma_start3A_87 = arith.constant 0 : i32
        %dma_start3A_88 = tpu.memref_slice %arg2[%dma_start3A_86, %dma_start3A_87] : memref<128x512xf32, #tpu.memory_space<hbm>> -> memref<128x512xf32, #tpu.memory_space<hbm>>
        tpu.enqueue_indirect_dma source(%dma_start3A_88 : memref<128x512xf32, #tpu.memory_space<hbm>>) target(%arg7 : memref<64x512xf32, #tpu.memory_space<vmem>>) offsets(%dma_start3A_85 : memref<64xi32, #tpu.memory_space<vmem>>) semaphore(%arg9 : memref<!tpu.dma_semaphore, #tpu.memory_space<semaphore_mem>>)
      } else {
      }
    }
    %scan3A_19 = arith.constant 80 : i32
    %add3A_20 = arith.constant 10112 : i32
    %add3A_21 = arith.addi %mul3A_2, %add3A_20 : i32
    %dma_wait3A = arith.constant 0 : i32
    %dma_wait3A_22 = tpu.memref_slice %arg4[%add3A_21, %dma_wait3A] : memref<327680x512xf32, #tpu.memory_space<hbm>> -> memref<64x512xf32, #tpu.memory_space<hbm>>
    %dma_wait3A_23 = arith.constant 0 : i32
    %dma_wait3A_24 = tpu.memref_slice %arg4[%add3A_21, %dma_wait3A_23] : memref<327680x512xf32, #tpu.memory_space<hbm>> -> memref<64x512xf32, #tpu.memory_space<hbm>>
    tpu.wait_dma2 semaphore(%arg10 : memref<!tpu.dma_semaphore, #tpu.memory_space<semaphore_mem>>) src(%arg6 : memref<64x512xf32, #tpu.memory_space<vmem>>) dst(%dma_wait3A_24 : memref<64x512xf32, #tpu.memory_space<hbm>>)
    %add3A_25 = arith.constant 10176 : i32
    %add3A_26 = arith.addi %mul3A_2, %add3A_25 : i32
    %dma_wait3A_27 = arith.constant 0 : i32
    %dma_wait3A_28 = tpu.memref_slice %arg4[%add3A_26, %dma_wait3A_27] : memref<327680x512xf32, #tpu.memory_space<hbm>> -> memref<64x512xf32, #tpu.memory_space<hbm>>
    %dma_wait3A_29 = arith.constant 0 : i32
    %dma_wait3A_30 = tpu.memref_slice %arg4[%add3A_26, %dma_wait3A_29] : memref<327680x512xf32, #tpu.memory_space<hbm>> -> memref<64x512xf32, #tpu.memory_space<hbm>>
    tpu.wait_dma2 semaphore(%arg11 : memref<!tpu.dma_semaphore, #tpu.memory_space<semaphore_mem>>) src(%arg7 : memref<64x512xf32, #tpu.memory_space<vmem>>) dst(%dma_wait3A_30 : memref<64x512xf32, #tpu.memory_space<hbm>>)
    return
  }
}

module attributes {stable_mosaic.version = 14 : i64} {
  func.func @_proj_body(%arg0: memref<128x200xf32, #tpu.memory_space<vmem>>, %arg1: memref<512x200xf32, #tpu.memory_space<vmem>>, %arg2: memref<1x512xf32, #tpu.memory_space<vmem>>, %arg3: memref<128x512xf32, #tpu.memory_space<vmem>>) attributes {dimension_semantics = [], scalar_prefetch = 0 : i64, scratch_operands = 0 : i64, tpu.core_type = #tpu.core_type<tc>} {
    %get3A = arith.constant 0 : index
    %get3A_0 = arith.constant 0 : index
    %get3A_1 = vector.load %arg0[%get3A, %get3A_0] : memref<128x200xf32, #tpu.memory_space<vmem>>, vector<128x200xf32>
    %get3A_2 = arith.constant 0 : index
    %get3A_3 = arith.constant 0 : index
    %get3A_4 = vector.load %arg1[%get3A_2, %get3A_3] : memref<512x200xf32, #tpu.memory_space<vmem>>, vector<512x200xf32>
    %dot_general3A = arith.constant dense<0.000000e+00> : vector<128x512xf32>
    %dot_general3A_5 = tpu.matmul %get3A_1, %get3A_4, %dot_general3A {dimension_numbers = #tpu.dot_dimension_numbers<[1], [1], [0], [0], [0, 0, 1, 0], [], []>, transpose_lhs_hint = false} : vector<128x200xf32>, vector<512x200xf32>, vector<128x512xf32> -> vector<128x512xf32>
    %get3A_6 = arith.constant 0 : index
    %get3A_7 = arith.constant 0 : index
    %get3A_8 = vector.load %arg2[%get3A_6, %get3A_7] : memref<1x512xf32, #tpu.memory_space<vmem>>, vector<1x512xf32>
    %add3A = vector.broadcast %get3A_8 : vector<1x512xf32> to vector<128x512xf32>
    %add3A_9 = arith.addf %dot_general3A_5, %add3A : vector<128x512xf32>
    %swap3A = arith.constant 0 : index
    %swap3A_10 = arith.constant 0 : index
    %swap3A_11 = vector.load %arg3[%swap3A, %swap3A_10] : memref<128x512xf32, #tpu.memory_space<vmem>>, vector<128x512xf32>
    tpu.vector_store %arg3[%swap3A, %swap3A_10], %add3A_9 {strides = array<i32>} : memref<128x512xf32, #tpu.memory_space<vmem>>, vector<128x512xf32>,
    return
  }
}

</mosaic_0001>

<sc_bundles>
// kernel: kernel.4.cloned.1.call-start
scs
__scs_entry_jumppad:
0x0: {  	(pc) =	sbr.rel $0x88, $3  }
0x1: {  	(tag) =	ssettag $0x0;
	lr =	simm.s32 $0x1  }
0x2: {  	[smem:$0x3F9D] =	sst lr;
	_ =	strace $0xD0000000  }
0x3: {  	_ = 	snop  }
0x4: {  	_ = 	snop  }
0x5: {  	_ = 	snop  }
0x6: {  	_ = 	snop  }
0x7: {  	_ = 	snop  }
__scs_overlays_trampoline_lowered:
0x8: {  	[smem:$0x3FAC] =	sst s0  }
0x9: {  	[smem:$0x3FAD] =	sst s1  }
0xa: {  	[smem:$0x3FAE] =	sst s2  }
0xb: {  	[smem:$0x3FAF] =	sst s3  }
0xc: {  	[smem:$0x3FB0] =	sst s4  }
0xd: {  	[smem:$0x3FB1] =	sst s5  }
0xe: {  	[smem:$0x3FB2] =	sst s6  }
0xf: {  	[smem:$0x3FB3] =	sst s7  }
0x10: {  	[smem:$0x3FB4] =	sst s8  }
0x11: {  	[smem:$0x3FB5] =	sst s9;
	s0 =	simm.s32 @!p0 $0x0  }
0x12: {  	s1 =	sld [smem:$0x3F9B];
	s0 =	simm.s32 @p0 $0x1  }
0x13: {  	[smem:$0x3FB6] =	sst s0;
	s0 =	simm.s32 @!p1 $0x0  }
0x14: {  	s2 =	sld [smem:$0x3F9A];
	s0 =	simm.s32 @p1 $0x1  }
0x15: {  	[smem:$0x3FB7] =	sst s0;
	s0 =	simm.s32 @!p2 $0x0  }
0x16: {  	s3 =	sld [smem:$0x3FDB];
	s0 =	simm.s32 @p2 $0x1  }
0x17: {  	s4 =	simm.s32 $0x1BF5;
	[smem:$0x3FB9] =	sst s0  }
0x18: {  	s0 =	sld [smem:$0x3F9C];
	_ =	swait.ge [sflag:s4], $0x0  }
0x19: {  	s7 =	sld [smem:$0x3F9D]  }
0x1a: {  	s8 =	sadd.s32 $0xFFFFE003, lr  }
0x1b: {  	s9 =	sadd.s32 $0xFFFFFEF7, lr;
	s5 =	simm.s32 $0xFFFFFFFF;
	p2 =	slt.u32 s8, $0xFFFFF086  }
0x1c: {  	p1 =	slt.u32 s9, $0xF7A;
	s5 =	simm.s32 @!p2 $0x0  }
0x1d: {  	s5 =	simm.s32 @p1 $0x1;
	p0 =	seq.s32 s7, s2  }
0x1e: {  	s7 =	smul.u32 @!p0 $0xF7A, s2;
	p2 =	seq.s32 @!p0 s5, $0x0  }
0x1f: {  	s9 =	smul.u32 $0xF7A, s1;
	s8 =	simm.s32 @!p0 $0x1BF5;
	p2 =	por !p2, p0  }
0x20: {  	[sflag:s8] =	ssyncset.s32 @!p0 $0xFFFFF086;
	s6 =	sadd.s32 @!p0 s3, s7;
	s7 =	simm.s32 @!p0 $0x108  }
0x21: {  	s3 =	sadd.s32 s3, s9;
	s6 =	sadd.s32 @!p0 $0x88, s6;
	s7 =	simm.s32 @p2 $0x1082  }
0x22: {  	[simem:s7], [sflag:s8] =	dma.local @!p0 [hbm:s6], $0xF7A  }
0x23: {  	s9 =	sor.u32 $0xD0000000, s2;
	s6 =	simm.s32 $0x108;
	_ =	swait.ge @!p0 [sflag:s8], $0x0  }
0x24: {  	s3 =	sadd.s32 $0x88, s3;
	s6 =	simm.s32 @!p1 $0x1082;
	[sflag:s4] =	ssyncset.s32 $0xFFFFF086  }
0x25: {  	[simem:s6], [sflag:s4] =	dma.local [hbm:s3], $0xF7A  }
0x26: {  	[smem:$0x3F9D] =	sst s1;
	(tag) =	ssettag s2;
	_ =	strace s9  }
0x27: {  	s1 =	sld [smem:$0x3FAD]  }
0x28: {  	s2 =	sld [smem:$0x3FAE]  }
0x29: {  	s4 =	sld [smem:$0x3FB0]  }
0x2a: {  	p0 =	seq.s32 s5, $0x0;
	s5 =	sld [smem:$0x3FB1]  }
0x2b: {  	s6 =	sld [smem:$0x3FB2]  }
0x2c: {  	s7 =	sld [smem:$0x3FB3]  }
0x2d: {  	s3 =	simm.s32 $0x108;
	s8 =	sld [smem:$0x3FB4]  }
0x2e: {  	s3 =	simm.s32 @!p0 $0x1082;
	s9 =	sld [smem:$0x3FB5]  }
0x2f: {  	lr =	sadd.s32 s0, s3;
	s0 =	sld [smem:$0x3FAC]  }
0x30: {  	s3 =	sld [smem:$0x3FAF]  }
0x31: {  	[smem:$0x3FB8] =	sst s10  }
0x32: {  	s10 =	sld [smem:$0x3FB6];
	_ =	sdelay $0x3  }
0x33: {  	p0 =	seq.s32 s10, $0x1;
	s10 =	sld [smem:$0x3FB8];
	_ =	sdelay $0x3  }
0x34: {  	[smem:$0x3FB8] =	sst s10  }
0x35: {  	s10 =	sld [smem:$0x3FB7];
	_ =	sdelay $0x3  }
0x36: {  	p1 =	seq.s32 s10, $0x1;
	s10 =	sld [smem:$0x3FB8];
	_ =	sdelay $0x3  }
0x37: {  	[smem:$0x3FB8] =	sst s10  }
0x38: {  	s10 =	sld [smem:$0x3FB9]  }
0x39: {  	_ = 	snop;
	(pc) =	sbr.ind lr, $3  }
0x3a: {  	_ = 	snop  }
0x3b: {  	_ = 	snop  }
0x3c: {  	p2 =	seq.s32 s10, $0x1;
	s10 =	sld [smem:$0x3FB8]  }
0x3d: {  	_ =	shalt  }
0x3e: {  	_ =	shalt  }
0x3f: {  	_ =	shalt  }
0x40: {  	_ =	shalt  }
0x41: {  	_ =	shalt  }
0x42: {  	_ =	shalt  }
0x43: {  	_ =	shalt  }
0x44: {  	_ =	shalt  }
0x45: {  	_ =	shalt  }
0x46: {  	_ =	shalt  }
0x47: {  	_ =	shalt  }
0x48: {  	_ =	shalt  }
0x49: {  	_ =	shalt  }
0x4a: {  	_ =	shalt  }
0x4b: {  	_ =	shalt  }
0x4c: {  	_ =	shalt  }
0x4d: {  	_ =	shalt  }
0x4e: {  	_ =	shalt  }
0x4f: {  	_ =	shalt  }
0x50: {  	_ =	shalt  }
0x51: {  	_ =	shalt  }
0x52: {  	_ =	shalt  }
0x53: {  	_ =	shalt  }
0x54: {  	_ =	shalt  }
0x55: {  	_ =	shalt  }
0x56: {  	_ =	shalt  }
0x57: {  	_ =	shalt  }
0x58: {  	_ =	shalt  }
0x59: {  	_ =	shalt  }
0x5a: {  	_ =	shalt  }
0x5b: {  	_ =	shalt  }
0x5c: {  	_ =	shalt  }
0x5d: {  	_ =	shalt  }
0x5e: {  	_ =	shalt  }
0x5f: {  	_ =	shalt  }
0x60: {  	_ =	shalt  }
0x61: {  	_ =	shalt  }
0x62: {  	_ =	shalt  }
0x63: {  	_ =	shalt  }
0x64: {  	_ =	shalt  }
0x65: {  	_ =	shalt  }
0x66: {  	_ =	shalt  }
0x67: {  	_ =	shalt  }
0x68: {  	_ =	shalt  }
0x69: {  	_ =	shalt  }
0x6a: {  	_ =	shalt  }
0x6b: {  	_ =	shalt  }
0x6c: {  	_ =	shalt  }
0x6d: {  	_ =	shalt  }
0x6e: {  	_ =	shalt  }
0x6f: {  	_ =	shalt  }
0x70: {  	_ =	shalt  }
0x71: {  	_ =	shalt  }
0x72: {  	_ =	shalt  }
0x73: {  	_ =	shalt  }
0x74: {  	_ =	shalt  }
0x75: {  	_ =	shalt  }
0x76: {  	_ =	shalt  }
0x77: {  	_ =	shalt  }
0x78: {  	_ =	shalt  }
0x79: {  	_ =	shalt  }
0x7a: {  	_ =	shalt  }
0x7b: {  	_ =	shalt  }
0x7c: {  	_ =	shalt  }
0x7d: {  	_ =	shalt  }
0x7e: {  	_ =	shalt  }
0x7f: {  	_ =	shalt  }
0x80: {  	_ =	shalt  }
0x81: {  	_ =	shalt  }
0x82: {  	_ =	shalt  }
0x83: {  	_ =	shalt  }
0x84: {  	_ =	shalt  }
0x85: {  	_ =	shalt  }
0x86: {  	_ =	shalt  }
0x87: {  	_ =	shalt  }
.Lfunc_end0:
.L_simem_size_0:
called_computation.1_lowered:
.L_overlay_start_0:
0x88: {  	s2 =	sld [smem:$0x3FD9]  }
0x89: {  	s3 =	sld [smem:$0x3FFE];
	_ =	sdelay $0x1  }
0x8a: {  	s1 =	srdreg.scid  }
0x8b: {  	s0 =	sand.u32 $0x1, s1  }
0x8c: {  	s17 =	sshll.u32 s0, $0xA;
	s2 =	sadd.s32 s3, s2  }
0x8d: {  	s2 =	sadd.s32 s2, s17  }
0x8e: {  	[smem:$0x3FC4] =	sst s2  }
0x8f: {  	_ = 	snop  }
0x90: {  	s2 =	sld [smem:$0x3FD0];
	(tm) =	ssettm $0x1  }
0x91: {  	s18 =	sld [smem:$0x3FFB];
	_ =	sdelay $0x3  }
0x92: {  	_ =	strace s18  }
0x93: {  	s3 =	sld [smem:$0x3FFC];
	_ =	sdelay $0x3  }
0x94: {  	_ =	strace s3  }
0x95: {  	s3 =	sld [smem:$0x3FFD];
	_ =	sdelay $0x3  }
0x96: {  	_ =	strace s3  }
0x97: {  	_ =	strace $0x8FFFFFFF  }
0x98: {  	s19 =	sld [smem:$0x3FDB];
	_ =	sdelay $0x1  }
0x99: {  	s4 =	simm.s32 $_scs_section_size  }
0x9a: {  	s5 =	simm.s32 $_size__tile_overlayer_lowered;
	s6 =	simm.s32 $_tile_overlayer_lowered  }
0x9b: {  	s22 =	simm.s32 $0x1BFF;
	s21 =	sshll.u32 s6, $0x1;
	s3 =	sadd.s32 s4, s19  }
0x9c: {  	s7 =	simm.s32 $0x0;
	s20 =	sshll.u32 s5, $0x1;
	s5 =	sadd.s32 s21, s3  }
0x9d: {  	[timem:s7], [sflag:s22] =	dma.local [hbm:s5], s20  }
0x9e: {  	_ =	swait.ge [sflag:s22], s20  }
0x9f: {  	s4 =	ssub.s32 $0x0, s20;
	[sflag:s22] =	ssyncset.done $0x0  }
0xa0: {  	[sflag:s22] =	ssyncadd.s32 s4;
	_ =	sdelay $0x1  }
0xa1: {  	s23 =	simm.s32 $0x1B8B  }
0xa2: {  	_ =	swait.ge [sflag:s23], $0x1  }
0xa3: {  	[sflag:s23] =	ssyncset.done $0x0  }
0xa4: {  	s25 =	simm.s32 $0x1B8E;
	s24 =	sld [smem:$0x3FFE];
	[sflag:s23] =	ssyncadd.s32 $0xFFFFFFFF  }
0xa5: {  	s26 =	simm.s32 $execute0_lowered;
	[smem:$0x3FD2] =	sst s25  }
0xa6: {  	s5 =	sshll.u32 s26, $0x1;
	_ =	strace $0x80000046;
	[dreg:$0x1] =	wrdreg $0xFFFFFFFF  }
0xa7: {  	s28 =	simm.s32 $_size_execute0_lowered;
	s3 =	sadd.s32 s3, s5;
	[dreg:$0x0] =	wrdreg $0x0  }
0xa8: {  	s5 =	sshll.u32 s28, $0x1;
	[dreg:$0x2] =	wrdreg s3  }
0xa9: {  	[dreg:$0x3] =	wrdreg s5  }
0xaa: {  	[dreg:$0x4] =	wrdreg $0xC0  }
0xab: {  	_ =	task [dreg:s7], $0x5FFFF  }
0xac: {  	[dreg:$0x1] =	wrdreg $0xFFFFFFFF  }
0xad: {  	[dreg:$0x0] =	wrdreg $0x60  }
0xae: {  	[dreg:$0x2] =	wrdreg s24  }
0xaf: {  	[dreg:$0x3] =	wrdreg s2  }
0xb0: {  	[dreg:$0x4] =	wrdreg $0x9  }
0xb1: {  	_ =	task.clear_ibuf [dreg:s7], $0x5FFFF;
	_ =	strace $0x90000046  }
0xb2: {  	s29 =	simm.s32 $0x9;
	_ =	strace $0x80000048  }
0xb3: {  	_ =	swait.ge [sflag:s29], $0x1  }
0xb4: {  	[sflag:s29] =	ssyncadd.s32 $0xFFFFFFFF  }
0xb5: {  	_ =	strace $0x90000048  }
0xb6: {  	_ =	sfence  }
0xb7: {  	s30 =	sld [smem:$0x0];
	_ =	sdelay $0x2  }
0xb8: {  	s31 =	sshll.u32 s1, $0xD;
	s1 =	sshrl.u32 s1, $0x2  }
0xb9: {  	s3 =	sand.u32 $0x4000, s31;
	s1 =	sadd.s32 s1, s30  }
0xba: {  	s0 =	sor.u32 s3, s0;
	s1 =	sshll.u32 s1, $0x11  }
0xbb: {  	s0 =	sor.u32 s1, s0  }
0xbc: {  	s0 =	sadd.s32 $0x8F2B, s0  }
0xbd: {  	[sflag:s0] =	ssyncadd.remote.s32 $0x1  }
0xbe: {  	_ =	sfence.sel $0xFFFF  }
0xbf: {  	[dreg:$0x0] =	wrdreg $0xFFFFFFFF;
	(pc) =	sbr.abs _section_cstart, $3  }
0xc0: {  	[dreg:$0x1] =	wrdreg $0xFFFFFFFF  }
0xc1: {  	_ =	task.clear_ibuf [dreg:s7], $0x2FFFF;
	_ =	strace $0x9FFFFFFF  }
0xc2: {  	(tm) =	ssettm $0x7FFFFFFF  }
0xc3: {  	_ =	shalt  }
tec
execute0_lowered:
.L_overlay_start_1:
0x0: {  	(tag) =	ssettag $0x1  }
0x1: {  	s0 =	srdreg.scid;
	s1 =	rddreg [dreg:$0x0]  }
0x2: {  	s11 =	stileid.u32;
	s4 =	rddreg [dreg:$0x1];
	s31 =	simm.s32 $0x5000  }
0x3: {  	s28 =	simm.s32 $0x8800;
	s29 =	simm.s32 $0x9000;
	s30 =	simm.s32 $0x9800  }
0x4: {  	s12 =	simm.s32 $0xE800;
	s13 =	simm.s32 $0xF000;
	s9 =	smul.u32 $0x140000, s11  }
0x5: {  	s0 =	sand.u32 $0x1, s0;
	s2 =	sshll.u32 s11, $0x1;
	s11 =	smul.u32 $0xA00000, s11  }
0x6: {  	s14 =	simm.s32 $0xF800;
	s15 =	simm.s32 $0x1;
	s19 =	smul.u32 $0x500000, s0  }
0x7: {  	s3 =	sor.u32 s0, s2;
	s8 =	ssub.s32 $0x2, s0;
	s0 =	smul.u32 $0xA0000, s0  }
0x8: {  	s16 =	simm.s32 $0x3;
	s17 =	simm.s32 $0x2;
	s5 =	smul.u32 $0xA00, s3  }
0x9: {  	s18 =	simm.s32 $0x4;
	s2 =	simm.s32 $0x0;
	s6 =	smul.u32 $0x500000, s3  }
0xa: {  	[smem:$0x7FF] =	sst s2;
	s7 =	smul.u32 $0xA0000, s3;
	s3 =	sadd.s32 $0x14C00, s1  }
0xb: {  	s10 =	sshrl.u32 s8, $0x1;
	s22 =	sadd.s32 s9, s4;
	s9 =	simm.s32 $0xD800  }
0xc: {  	_ =	strace $0x80000047;
	s8 =	ssub.s32 s8, s10;
	s23 =	sadd.s32 s19, s11  }
0xd: {  	s0 =	sadd.s32 s0, s22;
	s22 =	simm.s32 $0x6800;
	s11 =	simm.s32 $0xE000  }
0xe: {  	s10 =	simm.s32 $0x10000;
	s19 =	simm.s32 $0x0;
	s5 =	sadd.s32 s5, s1  }
0xf: {  	s20 =	smax.u32 s8, $0x1;
	s21 =	sadd.s32 s7, s4;
	s6 =	sshrl.u32 s6, $0x3  }
0x10: {  	s24 =	sor.u32 $0x10000, s23;
	s0 =	sadd.s32 $0x1000, s0;
	s7 =	simm.s32 $0xC000  }
0x11: {  	s8 =	simm.s32 $0xC800;
	s23 =	simm.s32 $0xD000;
	[dreg:$0x9] =	wrdreg s19  }
0x12: {  	s5 =	sadd.s32 $0xC00, s5;
	[dreg:$0x6] =	wrdreg s20;
	s6 =	sadd.s32 s4, s6  }
0x13: {  	s25 =	sshrl.u32 s24, $0x3;
	[dreg:$0x3] =	wrdreg s0;
	s20 =	simm.s32 $0x6000  }
0x14: {  	s24 =	simm.s32 $0x7800;
	s0 =	simm.s32 $0xA800;
	[dreg:$0x5] =	wrdreg s5  }
0x15: {  	s5 =	sadd.s32 $0x14D00, s1;
	[dreg:$0x7] =	wrdreg s6;
	s1 =	sadd.s32 $0x9F000, s21  }
0x16: {  	v2 =	vlaneseq.u32;
	s26 =	sadd.s32 s25, s4;
	s21 =	simm.s32 $0x5800;
	s25 =	simm.s32 $0x8000  }
0x17: {  	vm0 =	vmmov $0xffff;
	v1 =	vshrl.u32 v2, $0x3;
	s4 =	simm.s32 $0xB000;
	s6 =	simm.s32 $0xB800;
	[dreg:$0x8] =	wrdreg s1  }
0x18: {  	v0 =	vand.u32 $0x7, v2;
	v2 =	vor.u32 $0x8, v2;
	v1 =	vmul.u32 $0x8, v1;
	[dreg:$0x4] =	wrdreg s26;
	s26 =	simm.s32 $0x7000;
	s1 =	simm.s32 $0xA000  }
.LBB2_1:
0x19: {  	s19 =	rddreg [dreg:$0x5]  }
0x1a: {  	[tilespmem:s2], [sflag:$0x5] =	stream.linear.gather [hbm4b:s19+s2], $0x5000, $0x38;
	[tilespmem:$0x15000] =	vst v63  }
0x1b: {  	s19 =	simm.s32 $0x5  }
0x1c: {  	_ =	swait.ge [sflag:s19], $0x5000  }
0x1d: {  	[sflag:s19] =	ssyncset.done $0x0  }
0x1e: {  	[sflag:s19] =	ssyncadd.s32 $0xFFFFB000  }
0x1f: {  	v3 =	vld [tilespmem:$0x0];
	_ =	sdelay $0x4  }
0x20: {  	v4 =	vshll.u32 v3, $0x2  }
0x21: {  	v3 =	vand.u32 $0x7, v3;
	v4 =	vand.u32 $0xFFFFFFE0, v4  }
0x22: {  	v3 =	vor.u32 v3, v4  }
0x23: {  	v4 =	vperm.xlane v3, v0;
	_ =	sdelay $0x1  }
0x24: {  	v4 =	vadd.s32 v1, v4;
	_ =	sdelay $0x1  }
0x25: {  	v3 =	vperm.xlane v3, v2;
	_ =	sdelay $0x1  }
0x26: {  	v3 =	vadd.s32 v1, v3  }
0x27: {  	[tilespmem:s31], [sflag:$0x1] =	stream.indirect_vreg.gather [hbm4b:s3+s2], $0x80, v4, vm0, $0xb8;
	[tilespmem:$0x15000] =	vst v63  }
0x28: {  	_ = 	snop  }
0x29: {  	[tilespmem:s21], [sflag:$0x1] =	stream.indirect_vreg.gather [hbm4b:s5+s2], $0x80, v4, vm0, $0xb8;
	[tilespmem:$0x15000] =	vst v63  }
0x2a: {  	_ = 	snop  }
0x2b: {  	[tilespmem:s20], [sflag:$0x1] =	stream.indirect_vreg.gather [hbm4b:s3+s2], $0x80, v3, vm0, $0xb8;
	[tilespmem:$0x15000] =	vst v63  }
0x2c: {  	_ = 	snop  }
0x2d: {  	[tilespmem:s22], [sflag:$0x1] =	stream.indirect_vreg.gather [hbm4b:s5+s2], $0x80, v3, vm0, $0xb8;
	[tilespmem:$0x15000] =	vst v63  }
0x2e: {  	v3 =	vld [tilespmem:$0x10];
	_ =	sdelay $0x4  }
0x2f: {  	v57 =	vshll.u32 v3, $0x2  }
0x30: {  	v3 =	vand.u32 $0x7, v3;
	v4 =	vand.u32 $0xFFFFFFE0, v57  }
0x31: {  	v3 =	vor.u32 v3, v4  }
0x32: {  	v4 =	vperm.xlane v3, v0;
	_ =	sdelay $0x1  }
0x33: {  	v4 =	vadd.s32 v1, v4;
	_ =	sdelay $0x1  }
0x34: {  	v3 =	vperm.xlane v3, v2;
	_ =	sdelay $0x1  }
0x35: {  	v3 =	vadd.s32 v1, v3  }
0x36: {  	[tilespmem:s26], [sflag:$0x1] =	stream.indirect_vreg.gather [hbm4b:s3+s2], $0x80, v4, vm0, $0xb8;
	[tilespmem:$0x15000] =	vst v63  }
0x37: {  	_ = 	snop  }
0x38: {  	[tilespmem:s24], [sflag:$0x1] =	stream.indirect_vreg.gather [hbm4b:s5+s2], $0x80, v4, vm0, $0xb8;
	[tilespmem:$0x15000] =	vst v63  }
0x39: {  	_ = 	snop  }
0x3a: {  	[tilespmem:s25], [sflag:$0x1] =	stream.indirect_vreg.gather [hbm4b:s3+s2], $0x80, v3, vm0, $0xb8;
	[tilespmem:$0x15000] =	vst v63  }
0x3b: {  	_ = 	snop  }
0x3c: {  	[tilespmem:s28], [sflag:$0x1] =	stream.indirect_vreg.gather [hbm4b:s5+s2], $0x80, v3, vm0, $0xb8;
	[tilespmem:$0x15000] =	vst v63  }
0x3d: {  	v3 =	vld [tilespmem:$0x20];
	_ =	sdelay $0x4  }
0x3e: {  	v58 =	vshll.u32 v3, $0x2  }
0x3f: {  	v3 =	vand.u32 $0x7, v3;
	v4 =	vand.u32 $0xFFFFFFE0, v58  }
0x40: {  	v3 =	vor.u32 v3, v4  }
0x41: {  	v4 =	vperm.xlane v3, v0;
	_ =	sdelay $0x1  }
0x42: {  	v4 =	vadd.s32 v1, v4;
	_ =	sdelay $0x1  }
0x43: {  	v3 =	vperm.xlane v3, v2;
	_ =	sdelay $0x1  }
0x44: {  	v3 =	vadd.s32 v1, v3  }
0x45: {  	[tilespmem:s29], [sflag:$0x1] =	stream.indirect_vreg.gather [hbm4b:s3+s2], $0x80, v4, vm0, $0xb8;
	[tilespmem:$0x15000] =	vst v63  }
0x46: {  	_ = 	snop  }
0x47: {  	[tilespmem:s30], [sflag:$0x1] =	stream.indirect_vreg.gather [hbm4b:s5+s2], $0x80, v4, vm0, $0xb8;
	[tilespmem:$0x15000] =	vst v63  }
0x48: {  	_ = 	snop  }
0x49: {  	[tilespmem:s1], [sflag:$0x1] =	stream.indirect_vreg.gather [hbm4b:s3+s2], $0x80, v3, vm0, $0xb8;
	[tilespmem:$0x15000] =	vst v63  }
0x4a: {  	_ = 	snop  }
0x4b: {  	[tilespmem:s0], [sflag:$0x1] =	stream.indirect_vreg.gather [hbm4b:s5+s2], $0x80, v3, vm0, $0xb8;
	[tilespmem:$0x15000] =	vst v63  }
0x4c: {  	v3 =	vld [tilespmem:$0x30];
	_ =	sdelay $0x4  }
0x4d: {  	v59 =	vshll.u32 v3, $0x2  }
0x4e: {  	v3 =	vand.u32 $0x7, v3;
	v4 =	vand.u32 $0xFFFFFFE0, v59  }
0x4f: {  	v3 =	vor.u32 v3, v4  }
0x50: {  	v4 =	vperm.xlane v3, v0;
	_ =	sdelay $0x1  }
0x51: {  	v4 =	vadd.s32 v1, v4;
	_ =	sdelay $0x1  }
0x52: {  	v3 =	vperm.xlane v3, v2;
	_ =	sdelay $0x1  }
0x53: {  	v3 =	vadd.s32 v1, v3  }
0x54: {  	[tilespmem:s4], [sflag:$0x1] =	stream.indirect_vreg.gather [hbm4b:s3+s2], $0x80, v4, vm0, $0xb8;
	[tilespmem:$0x15000] =	vst v63  }
0x55: {  	_ = 	snop  }
0x56: {  	[tilespmem:s6], [sflag:$0x1] =	stream.indirect_vreg.gather [hbm4b:s5+s2], $0x80, v4, vm0, $0xb8;
	[tilespmem:$0x15000] =	vst v63  }
0x57: {  	_ = 	snop  }
0x58: {  	[tilespmem:s7], [sflag:$0x1] =	stream.indirect_vreg.gather [hbm4b:s3+s2], $0x80, v3, vm0, $0xb8;
	[tilespmem:$0x15000] =	vst v63  }
0x59: {  	_ = 	snop  }
0x5a: {  	[tilespmem:s8], [sflag:$0x1] =	stream.indirect_vreg.gather [hbm4b:s5+s2], $0x80, v3, vm0, $0xb8;
	[tilespmem:$0x15000] =	vst v63  }
0x5b: {  	v3 =	vld [tilespmem:$0x80];
	_ =	sdelay $0x4  }
0x5c: {  	v60 =	vshll.u32 v3, $0x2  }
0x5d: {  	v3 =	vand.u32 $0x7, v3;
	v4 =	vand.u32 $0xFFFFFFE0, v60  }
0x5e: {  	v3 =	vor.u32 v3, v4  }
0x5f: {  	v4 =	vperm.xlane v3, v0;
	_ =	sdelay $0x1  }
0x60: {  	v4 =	vadd.s32 v1, v4;
	_ =	sdelay $0x1  }
0x61: {  	v3 =	vperm.xlane v3, v2;
	_ =	sdelay $0x1  }
0x62: {  	v3 =	vadd.s32 v1, v3  }
0x63: {  	[tilespmem:s23], [sflag:$0x2] =	stream.indirect_vreg.gather [hbm4b:s3+s2], $0x80, v4, vm0, $0xb8;
	[tilespmem:$0x15000] =	vst v63  }
0x64: {  	_ = 	snop  }
0x65: {  	[tilespmem:s9], [sflag:$0x2] =	stream.indirect_vreg.gather [hbm4b:s5+s2], $0x80, v4, vm0, $0xb8;
	[tilespmem:$0x15000] =	vst v63  }
0x66: {  	_ = 	snop  }
0x67: {  	[tilespmem:s11], [sflag:$0x2] =	stream.indirect_vreg.gather [hbm4b:s3+s2], $0x80, v3, vm0, $0xb8;
	[tilespmem:$0x15000] =	vst v63  }
0x68: {  	_ = 	snop  }
0x69: {  	[tilespmem:s12], [sflag:$0x2] =	stream.indirect_vreg.gather [hbm4b:s5+s2], $0x80, v3, vm0, $0xb8;
	[tilespmem:$0x15000] =	vst v63  }
0x6a: {  	v3 =	vld [tilespmem:$0x90];
	_ =	sdelay $0x4  }
0x6b: {  	v61 =	vshll.u32 v3, $0x2  }
0x6c: {  	v3 =	vand.u32 $0x7, v3;
	v4 =	vand.u32 $0xFFFFFFE0, v61  }
0x6d: {  	v3 =	vor.u32 v3, v4  }
0x6e: {  	v4 =	vperm.xlane v3, v0;
	_ =	sdelay $0x1  }
0x6f: {  	v4 =	vadd.s32 v1, v4;
	_ =	sdelay $0x1  }
0x70: {  	v3 =	vperm.xlane v3, v2;
	_ =	sdelay $0x1  }
0x71: {  	v3 =	vadd.s32 v1, v3  }
0x72: {  	[tilespmem:s13], [sflag:$0x2] =	stream.indirect_vreg.gather [hbm4b:s3+s2], $0x80, v4, vm0, $0xb8;
	[tilespmem:$0x15000] =	vst v63  }
0x73: {  	_ = 	snop  }
0x74: {  	[tilespmem:s14], [sflag:$0x2] =	stream.indirect_vreg.gather [hbm4b:s5+s2], $0x80, v4, vm0, $0xb8;
	[tilespmem:$0x15000] =	vst v63  }
0x75: {  	_ = 	snop  }
0x76: {  	[tilespmem:s10], [sflag:$0x2] =	stream.indirect_vreg.gather [hbm4b:s3+s2], $0x80, v3, vm0, $0xb8;
	[tilespmem:$0x15000] =	vst v63  }
0x77: {  	s12 =	simm.s32 $0x10800  }
0x78: {  	[tilespmem:s12], [sflag:$0x2] =	stream.indirect_vreg.gather [hbm4b:s5+s2], $0x80, v3, vm0, $0xb8;
	[tilespmem:$0x15000] =	vst v63  }
0x79: {  	v3 =	vld [tilespmem:$0xA0];
	_ =	sdelay $0x4  }
0x7a: {  	v62 =	vshll.u32 v3, $0x2  }
0x7b: {  	v3 =	vand.u32 $0x7, v3;
	v4 =	vand.u32 $0xFFFFFFE0, v62  }
0x7c: {  	v3 =	vor.u32 v3, v4  }
0x7d: {  	v4 =	vperm.xlane v3, v0;
	_ =	sdelay $0x1  }
0x7e: {  	v4 =	vadd.s32 v1, v4;
	_ =	sdelay $0x1  }
0x7f: {  	v3 =	vperm.xlane v3, v2;
	_ =	sdelay $0x1  }
0x80: {  	s13 =	simm.s32 $0x11000;
	v3 =	vadd.s32 v1, v3  }
0x81: {  	[tilespmem:s13], [sflag:$0x2] =	stream.indirect_vreg.gather [hbm4b:s3+s2], $0x80, v4, vm0, $0xb8;
	[tilespmem:$0x15000] =	vst v63  }
0x82: {  	s14 =	simm.s32 $0x11800  }
0x83: {  	[tilespmem:s14], [sflag:$0x2] =	stream.indirect_vreg.gather [hbm4b:s5+s2], $0x80, v4, vm0, $0xb8;
	[tilespmem:$0x15000] =	vst v63  }
0x84: {  	s19 =	simm.s32 $0x12000  }
0x85: {  	[tilespmem:s19], [sflag:$0x2] =	stream.indirect_vreg.gather [hbm4b:s3+s2], $0x80, v3, vm0, $0xb8;
	[tilespmem:$0x15000] =	vst v63  }
0x86: {  	s20 =	simm.s32 $0x12800  }
0x87: {  	[tilespmem:s20], [sflag:$0x2] =	stream.indirect_vreg.gather [hbm4b:s5+s2], $0x80, v3, vm0, $0xb8;
	[tilespmem:$0x15000] =	vst v63  }
0x88: {  	v3 =	vld [tilespmem:$0xB0];
	_ =	sdelay $0x4  }
0x89: {  	v63 =	vshll.u32 v3, $0x2  }
0x8a: {  	v3 =	vand.u32 $0x7, v3;
	v4 =	vand.u32 $0xFFFFFFE0, v63  }
0x8b: {  	v3 =	vor.u32 v3, v4  }
0x8c: {  	v4 =	vperm.xlane v3, v0;
	_ =	sdelay $0x1  }
0x8d: {  	v4 =	vadd.s32 v1, v4;
	_ =	sdelay $0x1  }
0x8e: {  	s22 =	simm.s32 $0x13000;
	s24 =	simm.s32 $0x14000;
	v3 =	vperm.xlane v3, v2  }
0x8f: {  	s25 =	simm.s32 $0x14800;
	s28 =	simm.s32 $0x8000;
	s29 =	simm.s32 $0x8800  }
0x90: {  	s30 =	simm.s32 $0x9000;
	s1 =	simm.s32 $0xA000;
	s0 =	simm.s32 $0xA800;
	v3 =	vadd.s32 v1, v3  }
0x91: {  	[tilespmem:s22], [sflag:$0x2] =	stream.indirect_vreg.gather [hbm4b:s3+s2], $0x80, v4, vm0, $0xb8;
	[tilespmem:$0x15000] =	vst v63  }
0x92: {  	s4 =	simm.s32 $0xB000;
	s6 =	simm.s32 $0xB800;
	s23 =	simm.s32 $0x13800  }
0x93: {  	[tilespmem:s23], [sflag:$0x2] =	stream.indirect_vreg.gather [hbm4b:s5+s2], $0x80, v4, vm0, $0xb8;
	[tilespmem:$0x15000] =	vst v63  }
0x94: {  	s7 =	simm.s32 $0xC000;
	s8 =	simm.s32 $0xC800;
	s9 =	simm.s32 $0xD800  }
0x95: {  	[tilespmem:s24], [sflag:$0x2] =	stream.indirect_vreg.gather [hbm4b:s3+s2], $0x80, v3, vm0, $0xb8;
	[tilespmem:$0x15000] =	vst v63  }
0x96: {  	s11 =	simm.s32 $0xE000;
	s10 =	simm.s32 $0x10000;
	s12 =	simm.s32 $0xE800  }
0x97: {  	[tilespmem:s25], [sflag:$0x2] =	stream.indirect_vreg.gather [hbm4b:s5+s2], $0x80, v3, vm0, $0xb8;
	[tilespmem:$0x15000] =	vst v63  }
0x98: {  	s13 =	simm.s32 $0xF000;
	s14 =	simm.s32 $0xF800;
	_ =	swait.ge [sflag:s15], $0x8000  }
0x99: {  	s19 =	simm.s32 $0x1B0;
	s20 =	simm.s32 $0x0;
	[sflag:s15] =	ssyncset.done $0x0  }
0x9a: {  	s22 =	simm.s32 $0x6000;
	s26 =	rddreg [dreg:$0x7];
	[sflag:s15] =	ssyncadd.s32 $0xFFFF8000  }
0x9b: {  	[hbm4b:s26+s2] =	stream.linear.scatter [tilespmem:s31], [sflag:$0x3], $0x8000, $0x38;
	[tilespmem:$0x15000] =	vst v63  }
0x9c: {  	s24 =	simm.s32 $0x7000;
	s26 =	simm.s32 $0x5000;
	s31 =	simm.s32 $0x9800  }
.LBB2_2:
0x9d: {  	_ =	swait.ge [sflag:s16], $0x8000  }
0x9e: {  	[sflag:s16] =	ssyncset.done $0x0  }
0x9f: {  	[sflag:s16] =	ssyncadd.s32 $0xFFFF8000  }
0xa0: {  	v3 =	vld [tilespmem:s19+$0xFFFFFF50];
	_ =	sdelay $0x4  }
0xa1: {  	v4 =	vshll.u32 v3, $0x2  }
0xa2: {  	v3 =	vand.u32 $0x7, v3;
	v4 =	vand.u32 $0xFFFFFFE0, v4  }
0xa3: {  	v3 =	vor.u32 v3, v4  }
0xa4: {  	v4 =	vperm.xlane v3, v0;
	_ =	sdelay $0x1  }
0xa5: {  	v4 =	vadd.s32 v1, v4;
	_ =	sdelay $0x1  }
0xa6: {  	v3 =	vperm.xlane v3, v2;
	_ =	sdelay $0x1  }
0xa7: {  	v3 =	vadd.s32 v1, v3  }
0xa8: {  	[tilespmem:s26], [sflag:$0x1] =	stream.indirect_vreg.gather [hbm4b:s3+s2], $0x80, v4, vm0, $0xb8;
	[tilespmem:$0x15000] =	vst v63  }
0xa9: {  	_ = 	snop  }
0xaa: {  	[tilespmem:s21], [sflag:$0x1] =	stream.indirect_vreg.gather [hbm4b:s5+s2], $0x80, v4, vm0, $0xb8;
	[tilespmem:$0x15000] =	vst v63  }
0xab: {  	_ = 	snop  }
0xac: {  	[tilespmem:s22], [sflag:$0x1] =	stream.indirect_vreg.gather [hbm4b:s3+s2], $0x80, v3, vm0, $0xb8;
	[tilespmem:$0x15000] =	vst v63  }
0xad: {  	s23 =	simm.s32 $0x6800  }
0xae: {  	[tilespmem:s23], [sflag:$0x1] =	stream.indirect_vreg.gather [hbm4b:s5+s2], $0x80, v3, vm0, $0xb8;
	[tilespmem:$0x15000] =	vst v63  }
0xaf: {  	v3 =	vld [tilespmem:s19+$0xFFFFFF60];
	_ =	sdelay $0x4  }
0xb0: {  	v57 =	vshll.u32 v3, $0x2  }
0xb1: {  	v3 =	vand.u32 $0x7, v3;
	v4 =	vand.u32 $0xFFFFFFE0, v57  }
0xb2: {  	v3 =	vor.u32 v3, v4  }
0xb3: {  	v4 =	vperm.xlane v3, v0;
	_ =	sdelay $0x1  }
0xb4: {  	v4 =	vadd.s32 v1, v4;
	_ =	sdelay $0x1  }
0xb5: {  	v3 =	vperm.xlane v3, v2;
	_ =	sdelay $0x1  }
0xb6: {  	v3 =	vadd.s32 v1, v3  }
0xb7: {  	[tilespmem:s24], [sflag:$0x1] =	stream.indirect_vreg.gather [hbm4b:s3+s2], $0x80, v4, vm0, $0xb8;
	[tilespmem:$0x15000] =	vst v63  }
0xb8: {  	s25 =	simm.s32 $0x7800  }
0xb9: {  	[tilespmem:s25], [sflag:$0x1] =	stream.indirect_vreg.gather [hbm4b:s5+s2], $0x80, v4, vm0, $0xb8;
	[tilespmem:$0x15000] =	vst v63  }
0xba: {  	_ = 	snop  }
0xbb: {  	[tilespmem:s28], [sflag:$0x1] =	stream.indirect_vreg.gather [hbm4b:s3+s2], $0x80, v3, vm0, $0xb8;
	[tilespmem:$0x15000] =	vst v63  }
0xbc: {  	_ = 	snop  }
0xbd: {  	[tilespmem:s29], [sflag:$0x1] =	stream.indirect_vreg.gather [hbm4b:s5+s2], $0x80, v3, vm0, $0xb8;
	[tilespmem:$0x15000] =	vst v63  }
0xbe: {  	v3 =	vld [tilespmem:s19+$0xFFFFFF70];
	_ =	sdelay $0x4  }
0xbf: {  	v58 =	vshll.u32 v3, $0x2  }
0xc0: {  	v3 =	vand.u32 $0x7, v3;
	v4 =	vand.u32 $0xFFFFFFE0, v58  }
0xc1: {  	v3 =	vor.u32 v3, v4  }
0xc2: {  	v4 =	vperm.xlane v3, v0;
	_ =	sdelay $0x1  }
0xc3: {  	v4 =	vadd.s32 v1, v4;
	_ =	sdelay $0x1  }
0xc4: {  	v3 =	vperm.xlane v3, v2;
	_ =	sdelay $0x1  }
0xc5: {  	v3 =	vadd.s32 v1, v3  }
0xc6: {  	[tilespmem:s30], [sflag:$0x1] =	stream.indirect_vreg.gather [hbm4b:s3+s2], $0x80, v4, vm0, $0xb8;
	[tilespmem:$0x15000] =	vst v63  }
0xc7: {  	_ = 	snop  }
0xc8: {  	[tilespmem:s31], [sflag:$0x1] =	stream.indirect_vreg.gather [hbm4b:s5+s2], $0x80, v4, vm0, $0xb8;
	[tilespmem:$0x15000] =	vst v63  }
0xc9: {  	_ = 	snop  }
0xca: {  	[tilespmem:s1], [sflag:$0x1] =	stream.indirect_vreg.gather [hbm4b:s3+s2], $0x80, v3, vm0, $0xb8;
	[tilespmem:$0x15000] =	vst v63  }
0xcb: {  	_ = 	snop  }
0xcc: {  	[tilespmem:s0], [sflag:$0x1] =	stream.indirect_vreg.gather [hbm4b:s5+s2], $0x80, v3, vm0, $0xb8;
	[tilespmem:$0x15000] =	vst v63  }
0xcd: {  	v3 =	vld [tilespmem:s19+$0xFFFFFF80];
	_ =	sdelay $0x4  }
0xce: {  	v59 =	vshll.u32 v3, $0x2  }
0xcf: {  	v3 =	vand.u32 $0x7, v3;
	v4 =	vand.u32 $0xFFFFFFE0, v59  }
0xd0: {  	v3 =	vor.u32 v3, v4  }
0xd1: {  	v4 =	vperm.xlane v3, v0;
	_ =	sdelay $0x1  }
0xd2: {  	v4 =	vadd.s32 v1, v4;
	_ =	sdelay $0x1  }
0xd3: {  	v3 =	vperm.xlane v3, v2;
	_ =	sdelay $0x1  }
0xd4: {  	v3 =	vadd.s32 v1, v3  }
0xd5: {  	[tilespmem:s4], [sflag:$0x1] =	stream.indirect_vreg.gather [hbm4b:s3+s2], $0x80, v4, vm0, $0xb8;
	[tilespmem:$0x15000] =	vst v63  }
0xd6: {  	_ = 	snop  }
0xd7: {  	[tilespmem:s6], [sflag:$0x1] =	stream.indirect_vreg.gather [hbm4b:s5+s2], $0x80, v4, vm0, $0xb8;
	[tilespmem:$0x15000] =	vst v63  }
0xd8: {  	_ = 	snop  }
0xd9: {  	[tilespmem:s7], [sflag:$0x1] =	stream.indirect_vreg.gather [hbm4b:s3+s2], $0x80, v3, vm0, $0xb8;
	[tilespmem:$0x15000] =	vst v63  }
0xda: {  	_ = 	snop  }
0xdb: {  	[tilespmem:s8], [sflag:$0x1] =	stream.indirect_vreg.gather [hbm4b:s5+s2], $0x80, v3, vm0, $0xb8;
	[tilespmem:$0x15000] =	vst v63  }
0xdc: {  	_ =	swait.ge [sflag:s17], $0x8000  }
0xdd: {  	s23 =	rddreg [dreg:$0x3];
	[sflag:s17] =	ssyncset.done $0x0  }
0xde: {  	s25 =	simm.s32 $0xD000;
	[sflag:s17] =	ssyncadd.s32 $0xFFFF8000;
	s21 =	sadd.s32 s20, s23  }
0xdf: {  	[hbm4b:s21+s2] =	stream.linear.scatter [tilespmem:s25], [sflag:$0x4], $0x8000, $0x38;
	[tilespmem:$0x15000] =	vst v63  }
0xe0: {  	_ =	swait.ge [sflag:s18], $0x8000  }
0xe1: {  	[sflag:s18] =	ssyncset.done $0x0  }
0xe2: {  	[sflag:s18] =	ssyncadd.s32 $0xFFFF8000  }
0xe3: {  	v3 =	vld [tilespmem:s19+$0xFFFFFFD0];
	_ =	sdelay $0x4  }
0xe4: {  	v60 =	vshll.u32 v3, $0x2  }
0xe5: {  	v3 =	vand.u32 $0x7, v3;
	v4 =	vand.u32 $0xFFFFFFE0, v60  }
0xe6: {  	v3 =	vor.u32 v3, v4  }
0xe7: {  	v4 =	vperm.xlane v3, v0;
	_ =	sdelay $0x1  }
0xe8: {  	v4 =	vadd.s32 v1, v4;
	_ =	sdelay $0x1  }
0xe9: {  	v3 =	vperm.xlane v3, v2;
	_ =	sdelay $0x1  }
0xea: {  	v3 =	vadd.s32 v1, v3  }
0xeb: {  	[tilespmem:s25], [sflag:$0x2] =	stream.indirect_vreg.gather [hbm4b:s3+s2], $0x80, v4, vm0, $0xb8;
	[tilespmem:$0x15000] =	vst v63  }
0xec: {  	_ = 	snop  }
0xed: {  	[tilespmem:s9], [sflag:$0x2] =	stream.indirect_vreg.gather [hbm4b:s5+s2], $0x80, v4, vm0, $0xb8;
	[tilespmem:$0x15000] =	vst v63  }
0xee: {  	_ = 	snop  }
0xef: {  	[tilespmem:s11], [sflag:$0x2] =	stream.indirect_vreg.gather [hbm4b:s3+s2], $0x80, v3, vm0, $0xb8;
	[tilespmem:$0x15000] =	vst v63  }
0xf0: {  	_ = 	snop  }
0xf1: {  	[tilespmem:s12], [sflag:$0x2] =	stream.indirect_vreg.gather [hbm4b:s5+s2], $0x80, v3, vm0, $0xb8;
	[tilespmem:$0x15000] =	vst v63  }
0xf2: {  	v3 =	vld [tilespmem:s19+$0xFFFFFFE0];
	_ =	sdelay $0x4  }
0xf3: {  	v61 =	vshll.u32 v3, $0x2  }
0xf4: {  	v3 =	vand.u32 $0x7, v3;
	v4 =	vand.u32 $0xFFFFFFE0, v61  }
0xf5: {  	v3 =	vor.u32 v3, v4  }
0xf6: {  	v4 =	vperm.xlane v3, v0;
	_ =	sdelay $0x1  }
0xf7: {  	v4 =	vadd.s32 v1, v4;
	_ =	sdelay $0x1  }
0xf8: {  	v3 =	vperm.xlane v3, v2;
	_ =	sdelay $0x1  }
0xf9: {  	v3 =	vadd.s32 v1, v3  }
0xfa: {  	[tilespmem:s13], [sflag:$0x2] =	stream.indirect_vreg.gather [hbm4b:s3+s2], $0x80, v4, vm0, $0xb8;
	[tilespmem:$0x15000] =	vst v63  }
0xfb: {  	_ = 	snop  }
0xfc: {  	[tilespmem:s14], [sflag:$0x2] =	stream.indirect_vreg.gather [hbm4b:s5+s2], $0x80, v4, vm0, $0xb8;
	[tilespmem:$0x15000] =	vst v63  }
0xfd: {  	_ = 	snop  }
0xfe: {  	[tilespmem:s10], [sflag:$0x2] =	stream.indirect_vreg.gather [hbm4b:s3+s2], $0x80, v3, vm0, $0xb8;
	[tilespmem:$0x15000] =	vst v63  }
0xff: {  	s25 =	simm.s32 $0x10800  }
0x100: {  	[tilespmem:s25], [sflag:$0x2] =	stream.indirect_vreg.gather [hbm4b:s5+s2], $0x80, v3, vm0, $0xb8;
	[tilespmem:$0x15000] =	vst v63  }
0x101: {  	v3 =	vld [tilespmem:s19+$0xFFFFFFF0];
	_ =	sdelay $0x4  }
0x102: {  	v62 =	vshll.u32 v3, $0x2  }
0x103: {  	v3 =	vand.u32 $0x7, v3;
	v4 =	vand.u32 $0xFFFFFFE0, v62  }
0x104: {  	v3 =	vor.u32 v3, v4  }
0x105: {  	v4 =	vperm.xlane v3, v0;
	_ =	sdelay $0x1  }
0x106: {  	v4 =	vadd.s32 v1, v4;
	_ =	sdelay $0x1  }
0x107: {  	v3 =	vperm.xlane v3, v2;
	_ =	sdelay $0x1  }
0x108: {  	s25 =	simm.s32 $0x11000;
	v3 =	vadd.s32 v1, v3  }
0x109: {  	[tilespmem:s25], [sflag:$0x2] =	stream.indirect_vreg.gather [hbm4b:s3+s2], $0x80, v4, vm0, $0xb8;
	[tilespmem:$0x15000] =	vst v63  }
0x10a: {  	s25 =	simm.s32 $0x11800  }
0x10b: {  	[tilespmem:s25], [sflag:$0x2] =	stream.indirect_vreg.gather [hbm4b:s5+s2], $0x80, v4, vm0, $0xb8;
	[tilespmem:$0x15000] =	vst v63  }
0x10c: {  	s25 =	simm.s32 $0x12000  }
0x10d: {  	[tilespmem:s25], [sflag:$0x2] =	stream.indirect_vreg.gather [hbm4b:s3+s2], $0x80, v3, vm0, $0xb8;
	[tilespmem:$0x15000] =	vst v63  }
0x10e: {  	s25 =	simm.s32 $0x12800  }
0x10f: {  	[tilespmem:s25], [sflag:$0x2] =	stream.indirect_vreg.gather [hbm4b:s5+s2], $0x80, v3, vm0, $0xb8;
	[tilespmem:$0x15000] =	vst v63  }
0x110: {  	v3 =	vld [tilespmem:s19+$0x0];
	_ =	sdelay $0x4  }
0x111: {  	v63 =	vshll.u32 v3, $0x2  }
0x112: {  	v3 =	vand.u32 $0x7, v3;
	v4 =	vand.u32 $0xFFFFFFE0, v63  }
0x113: {  	v3 =	vor.u32 v3, v4  }
0x114: {  	v4 =	vperm.xlane v3, v0;
	_ =	sdelay $0x1  }
0x115: {  	v4 =	vadd.s32 v1, v4;
	_ =	sdelay $0x1  }
0x116: {  	v3 =	vperm.xlane v3, v2;
	_ =	sdelay $0x1  }
0x117: {  	s25 =	simm.s32 $0x13000;
	v3 =	vadd.s32 v1, v3  }
0x118: {  	[tilespmem:s25], [sflag:$0x2] =	stream.indirect_vreg.gather [hbm4b:s3+s2], $0x80, v4, vm0, $0xb8;
	[tilespmem:$0x15000] =	vst v63  }
0x119: {  	s25 =	simm.s32 $0x13800  }
0x11a: {  	[tilespmem:s25], [sflag:$0x2] =	stream.indirect_vreg.gather [hbm4b:s5+s2], $0x80, v4, vm0, $0xb8;
	[tilespmem:$0x15000] =	vst v63  }
0x11b: {  	s25 =	simm.s32 $0x14000  }
0x11c: {  	[tilespmem:s25], [sflag:$0x2] =	stream.indirect_vreg.gather [hbm4b:s3+s2], $0x80, v3, vm0, $0xb8;
	[tilespmem:$0x15000] =	vst v63  }
0x11d: {  	p0 =	sne.s32 s20, $0x9C000;
	s25 =	simm.s32 $0x14800  }
0x11e: {  	[tilespmem:s25], [sflag:$0x2] =	stream.indirect_vreg.gather [hbm4b:s5+s2], $0x80, v3, vm0, $0xb8;
	[tilespmem:$0x15000] =	vst v63  }
.Ltmp0:
0x11f: {  	_ =	swait.ge [sflag:s15], $0x8000;
	(pc) =	sbr.rel @p0 .LBB2_2-.Ltmp0, $4  }
0x120: {  	s25 =	rddreg [dreg:$0x4];
	[sflag:s15] =	ssyncset.done $0x0  }
0x121: {  	s23 =	simm.s32 $0xD000;
	[sflag:s15] =	ssyncadd.s32 $0xFFFF8000;
	s21 =	sadd.s32 s20, s25  }
0x122: {  	[hbm4b:s21+s2] =	stream.linear.scatter [tilespmem:s26], [sflag:$0x3], $0x8000, $0x38;
	[tilespmem:$0x15000] =	vst v63  }
0x123: {  	s19 =	sadd.s32 $0x100, s19;
	s20 =	sadd.s32 $0x2000, s20;
	s21 =	simm.s32 $0x5800  }
0x124: {  	_ =	swait.ge [sflag:s17], $0x8000  }
0x125: {  	[sflag:s17] =	ssyncset.done $0x0  }
0x126: {  	s19 =	rddreg [dreg:$0x8];
	[sflag:s17] =	ssyncadd.s32 $0xFFFF8000  }
0x127: {  	[hbm4b:s19+s2] =	stream.linear.scatter [tilespmem:s23], [sflag:$0x4], $0x8000, $0x38;
	[tilespmem:$0x15000] =	vst v63  }
0x128: {  	_ =	swait.ge [sflag:s16], $0x8000  }
0x129: {  	s20 =	simm.s32 $0x6000;
	[sflag:s16] =	ssyncset.done $0x0  }
0x12a: {  	s22 =	simm.s32 $0x6800;
	s24 =	simm.s32 $0x7800;
	[sflag:s16] =	ssyncadd.s32 $0xFFFF8000  }
0x12b: {  	s25 =	simm.s32 $0x8000;
	s28 =	simm.s32 $0x8800;
	_ =	swait.ge [sflag:s18], $0x8000  }
0x12c: {  	s29 =	simm.s32 $0x9000;
	s30 =	simm.s32 $0x9800;
	s0 =	rddreg [dreg:$0x9]  }
0x12d: {  	s1 =	simm.s32 $0xA000;
	s26 =	rddreg [dreg:$0x6];
	s0 =	sadd.s32 $0x1, s0  }
0x12e: {  	s4 =	simm.s32 $0xB000;
	s6 =	simm.s32 $0xB800;
	p0 =	sne.s32 s0, s26  }
.Ltmp1:
0x12f: {  	s7 =	simm.s32 $0xC000;
	s8 =	simm.s32 $0xC800;
	(pc) =	sbr.rel @p0 .LBB2_1-.Ltmp1, $4  }
0x130: {  	s9 =	simm.s32 $0xD800;
	s11 =	simm.s32 $0xE000;
	s12 =	simm.s32 $0xE800  }
0x131: {  	s13 =	simm.s32 $0xF000;
	s14 =	simm.s32 $0xF800;
	[sflag:s18] =	ssyncset.done $0x0  }
0x132: {  	s10 =	simm.s32 $0x10000;
	s31 =	simm.s32 $0x5000;
	[sflag:s18] =	ssyncadd.s32 $0xFFFF8000  }
0x133: {  	[dreg:$0x9] =	wrdreg s0;
	s26 =	simm.s32 $0x7000;
	s0 =	simm.s32 $0xA800  }
0x134: {  	_ =	sfence.sel $0x180000  }
0x135: {  	[bflag:$0x0] =	sbarrier.arrive $0xFFFF  }
0x136: {  	_ =	strace $0x90000047  }
0x137: {  	s0 =	stileid.u32;
	[bflag:$0x2] =	sbarrier.arrive $0xFFFF  }
0x138: {  	p0 =	sne.s32 s0, $0x0;
	s0 =	rddreg [dreg:$0x2]  }
0x139: {  	s0 =	sadd.s32 @!p0 $0x100000, s0  }
0x13a: {  	[sflag:s0] =	ssyncadd.tile.s32 @!p0 $0x1;
	_ =	shalt  }
.Lfunc_end2:
_tile_overlayer_lowered:
.L_overlay_start_2:
0x13b: {  	(tag) =	ssettag $0x2  }
0x13c: {  	s0 =	rddreg [dreg:$0x0];
	s2 =	stileid.u32  }
0x13d: {  	s1 =	rddreg [dreg:$0x1];
	p0 =	sne.s32 s2, $0x0  }
0x13e: {  	s3 =	rddreg [dreg:$0x2];
	[bflag:$0x3] =	sbarrier.arrive $0xFFFF;
	s2 =	simm.s32 @!p0 $0x1C05  }
0x13f: {  	[timem:s3], [sflag:s2] =	dma.local @!p0 [hbm:s0], s1  }
0x140: {  	s0 =	simm.s32 @!p0 $0x5  }
0x141: {  	_ =	swait.ge @!p0 [sflag:s0], s1  }
0x142: {  	s1 =	ssub.s32 @!p0 $0x0, s1;
	[sflag:s0] =	ssyncset.done @!p0 $0x0  }
0x143: {  	[sflag:s0] =	ssyncadd.s32 @!p0 s1  }
0x144: {  	[bflag:$0x3] =	sbarrier.arrive $0xFFFF  }
0x145: {  	_ =	shalt  }

// kernel: sparse-core-data-format-call.cloned.1.call-start
scs
called_computation_lowered:
.L_overlay_start_0:
0x0: {  	s2 =	sld [smem:$0x3FD9]  }
0x1: {  	s3 =	sld [smem:$0x3FFE];
	_ =	sdelay $0x1  }
0x2: {  	s1 =	srdreg.scid  }
0x3: {  	s0 =	sand.u32 $0x1, s1  }
0x4: {  	s18 =	sshll.u32 s0, $0xA;
	s2 =	sadd.s32 s3, s2  }
0x5: {  	s2 =	sadd.s32 s2, s18  }
0x6: {  	[smem:$0x3FC4] =	sst s2  }
0x7: {  	_ = 	snop  }
0x8: {  	s2 =	sld [smem:$0x3FD0];
	(tm) =	ssettm $0x1  }
0x9: {  	s19 =	sld [smem:$0x3FFB];
	_ =	sdelay $0x3  }
0xa: {  	_ =	strace s19  }
0xb: {  	s3 =	sld [smem:$0x3FFC];
	_ =	sdelay $0x3  }
0xc: {  	_ =	strace s3  }
0xd: {  	s3 =	sld [smem:$0x3FFD];
	_ =	sdelay $0x3  }
0xe: {  	_ =	strace s3  }
0xf: {  	_ =	strace $0x8FFFFFFF  }
0x10: {  	s20 =	sld [smem:$0x3FDB];
	_ =	sdelay $0x1  }
0x11: {  	s4 =	simm.s32 $_scs_section_size  }
0x12: {  	s5 =	simm.s32 $_size__tile_overlayer_lowered;
	s6 =	simm.s32 $_tile_overlayer_lowered  }
0x13: {  	s23 =	simm.s32 $0x1BFF;
	s22 =	sshll.u32 s6, $0x1;
	s3 =	sadd.s32 s4, s20  }
0x14: {  	s7 =	simm.s32 $0x0;
	s21 =	sshll.u32 s5, $0x1;
	s5 =	sadd.s32 s22, s3  }
0x15: {  	[timem:s7], [sflag:s23] =	dma.local [hbm:s5], s21  }
0x16: {  	_ =	swait.ge [sflag:s23], s21  }
0x17: {  	s4 =	ssub.s32 $0x0, s21;
	[sflag:s23] =	ssyncset.done $0x0  }
0x18: {  	[sflag:s23] =	ssyncadd.s32 s4;
	_ =	sdelay $0x1  }
0x19: {  	s24 =	simm.s32 $0x1B8B  }
0x1a: {  	_ =	swait.ge [sflag:s24], $0x1  }
0x1b: {  	[sflag:s24] =	ssyncset.done $0x0  }
0x1c: {  	s26 =	simm.s32 $0x1B8E;
	s25 =	sld [smem:$0x3FFE];
	[sflag:s24] =	ssyncadd.s32 $0xFFFFFFFF  }
0x1d: {  	s27 =	simm.s32 $execute0_lowered;
	[smem:$0x3FD2] =	sst s26  }
0x1e: {  	s5 =	sshll.u32 s27, $0x1;
	_ =	strace $0x80000049;
	[dreg:$0x1] =	wrdreg $0xFFFFFFFF  }
0x1f: {  	s28 =	simm.s32 $_size_execute0_lowered;
	s3 =	sadd.s32 s3, s5;
	[dreg:$0x0] =	wrdreg $0x0  }
0x20: {  	s5 =	sshll.u32 s28, $0x1;
	[dreg:$0x2] =	wrdreg s3  }
0x21: {  	[dreg:$0x3] =	wrdreg s5  }
0x22: {  	[dreg:$0x4] =	wrdreg $0xC0  }
0x23: {  	_ =	task [dreg:s7], $0x5FFFF  }
0x24: {  	[dreg:$0x1] =	wrdreg $0xFFFFFFFF  }
0x25: {  	[dreg:$0x0] =	wrdreg $0x60  }
0x26: {  	[dreg:$0x2] =	wrdreg s25  }
0x27: {  	[dreg:$0x3] =	wrdreg s2  }
0x28: {  	[dreg:$0x4] =	wrdreg $0x9  }
0x29: {  	_ =	task.clear_ibuf [dreg:s7], $0x5FFFF;
	_ =	strace $0x90000049  }
0x2a: {  	s29 =	simm.s32 $0x9;
	_ =	strace $0x8000004B  }
0x2b: {  	_ =	swait.ge [sflag:s29], $0x1  }
0x2c: {  	[sflag:s29] =	ssyncadd.s32 $0xFFFFFFFF  }
0x2d: {  	_ =	strace $0x9000004B  }
0x2e: {  	_ =	sfence  }
0x2f: {  	s30 =	sld [smem:$0x0];
	_ =	sdelay $0x2  }
0x30: {  	s31 =	sshll.u32 s1, $0xD;
	s1 =	sshrl.u32 s1, $0x2  }
0x31: {  	s3 =	sand.u32 $0x4000, s31;
	s1 =	sadd.s32 s1, s30  }
0x32: {  	s0 =	sor.u32 s3, s0;
	s1 =	sshll.u32 s1, $0x11  }
0x33: {  	s0 =	sor.u32 s1, s0  }
0x34: {  	s0 =	sadd.s32 $0x8F2B, s0  }
0x35: {  	[sflag:s0] =	ssyncadd.remote.s32 $0x1  }
0x36: {  	_ =	sfence.sel $0xFFFF  }
0x37: {  	[dreg:$0x0] =	wrdreg $0xFFFFFFFF;
	(pc) =	sbr.abs _section_cstart, $3  }
0x38: {  	[dreg:$0x1] =	wrdreg $0xFFFFFFFF  }
0x39: {  	_ =	task.clear_ibuf [dreg:s7], $0x2FFFF;
	_ =	strace $0x9FFFFFFF  }
0x3a: {  	(tm) =	ssettm $0x7FFFFFFF  }
0x3b: {  	_ =	shalt  }
tec
execute0_lowered:
.L_overlay_start_1:
0x0: {  	(tag) =	ssettag $0x1  }
0x1: {  	s0 =	srdreg.scid  }
0x2: {  	s1 =	sshll.u32 s0, $0x4  }
0x3: {  	s6 =	rddreg [dreg:$0x0];
	s0 =	stileid.u32;
	s1 =	sand.u32 $0x10, s1  }
0x4: {  	s3 =	rddreg [dreg:$0x1];
	s1 =	sor.u32 s0, s1  }
0x5: {  	s5 =	simm.s32 $0x1;
	s31 =	simm.s32 $0x2;
	s2 =	sshll.u32 s1, $0x7  }
0x6: {  	s14 =	simm.s32 $0x0;
	s8 =	simm.s32 $0x1000;
	s4 =	ssub.s32 $0x4000, s2  }
0x7: {  	s9 =	simm.s32 $0x0;
	s15 =	simm.s32 $0x0;
	s30 =	sand.u32 $0xF80, s4  }
0x8: {  	s16 =	simm.s32 $0x0;
	s10 =	simm.s32 $0x0;
	p0 =	sne.s32 s30, $0x0  }
.Ltmp0:
0x9: {  	s7 =	sshrl.u32 s4, $0xC;
	s5 =	simm.s32 @!p0 $0x0;
	(pc) =	sbr.rel .LBB1_1-.Ltmp0, $4  }
0xa: {  	s11 =	simm.s32 $0x0;
	s1 =	rddreg [dreg:$0x2];
	s5 =	sadd.s32 s5, s7  }
0xb: {  	_ =	strace $0x8000004A;
	s4 =	simm.s32 $0x1;
	s5 =	smul.u32 $0x50, s5  }
0xc: {  	s13 =	simm.s32 $0x0;
	s6 =	sadd.s32 $0xC00, s6;
	[sflag:s4] =	ssyncpa.u1 $0x0  }
0xd: {  	s12 =	smov.u32 s2;
	[sflag:s31] =	ssyncpa.u1 $0x0;
	s7 =	sor.u32 $0x1, s5  }
.LBB1_4:
0xe: {  	_ =	sdelay $0x3  }
0xf: {  	[tilespmem:v0+s19+$0xFFFFFFD0 ss:$0x1] =	vst.idx.msk $0xffff, v6  }
0x10: {  	v56 =	vld.idx.msk [tilespmem:v1+s18+$0x0 ss:$0x1], $0xffff;
	[tilespmem:v0+s19+$0xFFFFFFE0 ss:$0x1] =	vst.idx.msk $0xffff, v4  }
0x11: {  	v57 =	vld.idx.msk [tilespmem:v1+s18+$0xFFFFFF90 ss:$0x1], $0xffff;
	[tilespmem:v0+s19+$0xFFFFFFF0 ss:$0x1] =	vst.idx.msk $0xffff, v2  }
0x12: {  	v58 =	vld.idx.msk [tilespmem:v1+s18+$0xFFFFFFA0 ss:$0x1], $0xffff;
	[tilespmem:v0+s19+$0x0 ss:$0x1] =	vst.idx.msk $0xffff, v3  }
0x13: {  	v59 =	vld.idx.msk [tilespmem:v1+s18+$0xFFFFFFB0 ss:$0x1], $0xffff;
	[tilespmem:v0+s19+$0x10 ss:$0x1] =	vst.idx.msk $0xffff, v5  }
0x14: {  	v60 =	vld.idx.msk [tilespmem:v1+s18+$0xFFFFFFC0 ss:$0x1], $0xffff;
	[tilespmem:v0+s19+$0x20 ss:$0x1] =	vst.idx.msk $0xffff, v7  }
0x15: {  	v61 =	vld.idx.msk [tilespmem:v1+s18+$0xFFFFFFD0 ss:$0x1], $0xffff;
	s27 =	sshll.u32 s16, $0x9;
	[tilespmem:v0+s18+$0x30 ss:$0x1] =	vst.idx.msk $0xffff, v56  }
0x16: {  	s20 =	sshll.u32 s14, $0x3;
	v62 =	vld.idx.msk [tilespmem:v1+s18+$0xFFFFFFE0 ss:$0x1], $0xffff;
	s28 =	sshll.u32 s16, $0x7;
	s30 =	sand.u32 $0x78, s14;
	[tilespmem:v0+s18+$0xFFFFFFC0 ss:$0x1] =	vst.idx.msk $0xffff, v57  }
0x17: {  	v63 =	vld.idx.msk [tilespmem:v1+s18+$0xFFFFFFF0 ss:$0x1], $0xffff;
	s15 =	sshll.u32 s15, $0x14;
	s19 =	sand.u32 $0x7FF000, s27;
	s20 =	sand.u32 $0x7FFC00, s20;
	[tilespmem:v0+s18+$0xFFFFFFD0 ss:$0x1] =	vst.idx.msk $0xffff, v58  }
0x18: {  	s29 =	sand.u32 $0x200, s28;
	s16 =	sand.u32 $0x180, s28;
	s19 =	sadd.s32 s19, s20;
	[tilespmem:v0+s18+$0xFFFFFFE0 ss:$0x1] =	vst.idx.msk $0xffff, v59  }
0x19: {  	s31 =	sand.u32 $0x7, s14;
	s16 =	sor.u32 s16, s30;
	s19 =	sor.u32 s29, s19;
	[tilespmem:v0+s18+$0xFFFFFFF0 ss:$0x1] =	vst.idx.msk $0xffff, v60  }
0x1a: {  	s15 =	sadd.s32 s3, s15;
	s16 =	sshrl.u32 s16, $0x3;
	s19 =	sshrl.u32 s19, $0x3;
	[tilespmem:v0+s18+$0x0 ss:$0x1] =	vst.idx.msk $0xffff, v61  }
0x1b: {  	s14 =	sshll.u32 s31, $0x12;
	s15 =	sadd.s32 s16, s15;
	[tilespmem:v0+s18+$0x10 ss:$0x1] =	vst.idx.msk $0xffff, v62;
	s19 =	sand.u32 $0xFFFC0, s19  }
0x1c: {  	s14 =	sor.u32 $0x400, s14;
	[tilespmem:v0+s18+$0x20 ss:$0x1] =	vst.idx.msk $0xffff, v63;
	s15 =	sadd.s32 s19, s15  }
0x1d: {  	[hbm4b:s15+s14] =	stream.strided.scatter [tilespmem:s17], [sflag:$0x2], $0x4000, s8, s14, $0x38;
	[tilespmem:$0x10000] =	vst v63  }
.LBB1_5:
0x1e: {  	s17 =	sadd.s32 $0x80, s10  }
0x1f: {  	s14 =	simm.s32 $0x1;
	p1 =	sgt.s32 s17, $0x1FF  }
0x20: {  	s14 =	simm.s32 @!p1 $0x0  }
0x21: {  	s18 =	sadd.s32 s14, s11  }
0x22: {  	s20 =	smov.u32 s12;
	s14 =	sadd.s32 $0x1000, s12;
	p2 =	sgt.s32 s18, $0x13  }
0x23: {  	s20 =	smov.u32 @p2 s14  }
0x24: {  	p0 =	slt.u32 s13, $0x2;
	s17 =	simm.s32 @p1 $0x0;
	p1 =	sgt.s32 s20, $0x3FFF  }
0x25: {  	s19 =	simm.s32 @!p0 $0x2;
	s20 =	smov.u32 @p1 s2;
	p1 =	sne.s32 s13, s7  }
.Ltmp1:
0x26: {  	_ =	swait.ge @!p0 [sflag:s19], $0x4000;
	(pc) =	sbr.rel @!p1 .LBB1_6-.Ltmp1, $4  }
0x27: {  	s15 =	smov.u32 s11;
	[sflag:s19] =	ssyncset.done @!p0 $0x0  }
0x28: {  	s16 =	smov.u32 s12;
	s9 =	sadd.s32 $0x4000, s9;
	[sflag:s19] =	ssyncadd.s32 @!p0 $0xFFFFC000  }
0x29: {  	s18 =	simm.s32 @p2 $0x0;
	s14 =	smov.u32 s10;
	s10 =	smov.u32 s17  }
0x2a: {  	s11 =	smov.u32 s18;
	s13 =	sadd.s32 $0x1, s13;
	s12 =	smov.u32 s20  }
.LBB1_1:
0x2b: {  	p0 =	sge.u32 s13, s5  }
0x2c: {  	s17 =	sshll.u32 @!p0 s11, $0x9;
	s18 =	sshll.u32 @!p0 s10, $0x3  }
0x2d: {  	s19 =	sshll.u32 @!p0 s11, $0x7;
	s17 =	sand.u32 @!p0 $0xFFFFF000, s17;
	s18 =	sand.u32 @!p0 $0xFFFFFC00, s18  }
0x2e: {  	s17 =	sadd.s32 @!p0 s17, s18;
	s18 =	sand.u32 @!p0 $0x200, s19  }
0x2f: {  	s17 =	sor.u32 @!p0 s18, s17  }
0x30: {  	s17 =	sshrl.u32 @!p0 s17, $0x9  }
0x31: {  	s31 =	sadd.s32 $0xFFFFFFFF, s13;
	s18 =	smulhi.u32 @!p0 $0xAAAAAAB, s17  }
0x32: {  	s20 =	sxor.u32 @!p0 $0xFFFFFFFF, s13;
	s21 =	sand.u32 @!p0 $0x78, s10;
	s22 =	smul.u32 @!p0 $0x600, s12  }
0x33: {  	s20 =	sshll.u32 @!p0 s20, $0xE;
	s19 =	sand.u32 @!p0 $0x180, s19;
	s18 =	smul.u32 @!p0 $0x18, s18  }
0x34: {  	s20 =	sand.u32 @!p0 $0x4000, s20;
	s19 =	sor.u32 @!p0 s21, s19;
	s21 =	sand.u32 @!p0 $0x7, s10  }
0x35: {  	s17 =	ssub.s32 @!p0 s17, s18;
	s18 =	sshrl.u32 @!p0 s19, $0x3;
	s19 =	sadd.s32 @!p0 s6, s22  }
0x36: {  	s17 =	sshll.u32 @!p0 s17, $0x6;
	s18 =	sadd.s32 @!p0 s18, s19;
	s19 =	sshll.u32 @!p0 s21, $0x12  }
0x37: {  	s17 =	sadd.s32 @!p0 s17, s18;
	s18 =	sor.u32 @!p0 $0x80, s19;
	s19 =	simm.s32 @!p0 $0x3000  }
0x38: {  	[tilespmem:s20], [sflag:$0x1] =	stream.strided.gather @!p0 [hbm4b:s17+s18], $0x4000, s19, s18, $0x38;
	[tilespmem:$0x10000] =	vst v63  }
0x39: {  	p0 =	sge.u32 s31, s5  }
.Ltmp2:
0x3a: {  	_ = 	snop;
	(pc) =	sbr.rel @p0 .LBB1_5-.Ltmp2, $1  }
0x3b: {  	_ =	sdelay $0x3  }
0x3c: {  	s17 =	sand.u32 $0x4000, s9  }
0x3d: {  	s18 =	sor.u32 $0x70, s17  }
0x3e: {  	v1 =	vmov s18;
	_ =	sdelay $0x1  }
0x3f: {  	_ =	swait.ge [sflag:s4], $0x4000  }
0x40: {  	[sflag:s4] =	ssyncset.done $0x0  }
0x41: {  	s19 =	simm.s32 $0x0;
	[sflag:s4] =	ssyncadd.s32 $0xFFFFC000  }
0x42: {  	s17 =	sor.u32 $0x8040, s17;
	v7 =	vld.idx.msk [tilespmem:v1+s19+$0x0 ss:$0x1], $0xffff  }
0x43: {  	v0 =	vmov s17;
	v8 =	vld.idx.msk [tilespmem:v1+s19+$0xFFFFFF90 ss:$0x1], $0xffff  }
0x44: {  	v6 =	vld.idx.msk [tilespmem:v1+s19+$0xFFFFFFA0 ss:$0x1], $0xffff  }
0x45: {  	v4 =	vld.idx.msk [tilespmem:v1+s19+$0xFFFFFFB0 ss:$0x1], $0xffff  }
0x46: {  	v2 =	vld.idx.msk [tilespmem:v1+s19+$0xFFFFFFC0 ss:$0x1], $0xffff  }
0x47: {  	s31 =	sshll.u32 s13, $0xE;
	v3 =	vld.idx.msk [tilespmem:v1+s19+$0xFFFFFFD0 ss:$0x1], $0xffff  }
0x48: {  	s17 =	sand.u32 $0x4000, s31;
	v5 =	vld.idx.msk [tilespmem:v1+s19+$0xFFFFFFE0 ss:$0x1], $0xffff;
	[tilespmem:v0+s19+$0x30 ss:$0x1] =	vst.idx.msk $0xffff, v7  }
0x49: {  	s20 =	simm.s32 $0x400;
	s18 =	simm.s32 $0x80;
	s17 =	sor.u32 $0x8000, s17;
	[tilespmem:v0+s19+$0xFFFFFFC0 ss:$0x1] =	vst.idx.msk $0xffff, v8;
	v7 =	vld.idx.msk [tilespmem:v1+s19+$0xFFFFFFF0 ss:$0x1], $0xffff  }
.LBB1_3:
0x4a: {  	p0 =	sne.s32 s20, $0xFE00;
	v8 =	vld.idx.msk [tilespmem:v1+s18+$0x0 ss:$0x1], $0xffff;
	[tilespmem:v0+s19+$0xFFFFFFD0 ss:$0x1] =	vst.idx.msk $0xffff, v6  }
0x4b: {  	v9 =	vld.idx.msk [tilespmem:v1+s18+$0xFFFFFF90 ss:$0x1], $0xffff;
	[tilespmem:v0+s19+$0xFFFFFFE0 ss:$0x1] =	vst.idx.msk $0xffff, v4  }
0x4c: {  	v6 =	vld.idx.msk [tilespmem:v1+s18+$0xFFFFFFA0 ss:$0x1], $0xffff;
	[tilespmem:v0+s19+$0xFFFFFFF0 ss:$0x1] =	vst.idx.msk $0xffff, v2  }
.Ltmp3:
0x4d: {  	v4 =	vld.idx.msk [tilespmem:v1+s18+$0xFFFFFFB0 ss:$0x1], $0xffff;
	[tilespmem:v0+s19+$0x0 ss:$0x1] =	vst.idx.msk $0xffff, v3;
	(pc) =	sbr.rel @p0 .LBB1_3-.Ltmp3, $4  }
0x4e: {  	v2 =	vld.idx.msk [tilespmem:v1+s18+$0xFFFFFFC0 ss:$0x1], $0xffff;
	[tilespmem:v0+s19+$0x10 ss:$0x1] =	vst.idx.msk $0xffff, v5  }
0x4f: {  	v3 =	vld.idx.msk [tilespmem:v1+s18+$0xFFFFFFD0 ss:$0x1], $0xffff;
	[tilespmem:v0+s19+$0x20 ss:$0x1] =	vst.idx.msk $0xffff, v7;
	s19 =	smov.u32 s18  }
0x50: {  	v5 =	vld.idx.msk [tilespmem:v1+s19+$0xFFFFFFE0 ss:$0x1], $0xffff;
	[tilespmem:v0+s19+$0x30 ss:$0x1] =	vst.idx.msk $0xffff, v8  }
0x51: {  	s18 =	sshra.s32 s20, $0x2;
	s20 =	sadd.s32 $0x200, s20;
	[tilespmem:v0+s19+$0xFFFFFFC0 ss:$0x1] =	vst.idx.msk $0xffff, v9;
	v7 =	vld.idx.msk [tilespmem:v1+s19+$0xFFFFFFF0 ss:$0x1], $0xffff  }
.Ltmp4:
0x52: {  	_ = 	snop;
	(pc) =	sbr.rel .LBB1_4-.Ltmp4, $1  }
0x53: {  	_ =	sdelay $0x3  }
.LBB1_6:
0x54: {  	_ =	sfence.sel $0x180000  }
0x55: {  	s2 =	simm.s32 $0x1;
	[bflag:$0x0] =	sbarrier.arrive $0xFFFF  }
0x56: {  	s31 =	simm.s32 $0x2;
	[sflag:s2] =	ssyncpa.u1 $0x1  }
0x57: {  	[sflag:s31] =	ssyncpa.u1 $0x1  }
0x58: {  	p0 =	sne.s32 s0, $0x0;
	_ =	strace $0x9000004A  }
0x59: {  	s0 =	sadd.s32 @!p0 $0x100000, s1;
	[bflag:$0x2] =	sbarrier.arrive $0xFFFF  }
0x5a: {  	[sflag:s0] =	ssyncadd.tile.s32 @!p0 $0x1;
	_ =	shalt  }
.Lfunc_end1:
_tile_overlayer_lowered:
.L_overlay_start_2:
0x5b: {  	(tag) =	ssettag $0x2  }
0x5c: {  	s0 =	rddreg [dreg:$0x0];
	s2 =	stileid.u32  }
0x5d: {  	s1 =	rddreg [dreg:$0x1];
	p0 =	sne.s32 s2, $0x0  }
0x5e: {  	s3 =	rddreg [dreg:$0x2];
	[bflag:$0x3] =	sbarrier.arrive $0xFFFF;
	s2 =	simm.s32 @!p0 $0x1C01  }
0x5f: {  	[timem:s3], [sflag:s2] =	dma.local @!p0 [hbm:s0], s1  }
0x60: {  	s0 =	simm.s32 @!p0 $0x1  }
0x61: {  	_ =	swait.ge @!p0 [sflag:s0], s1  }
0x62: {  	s1 =	ssub.s32 @!p0 $0x0, s1;
	[sflag:s0] =	ssyncset.done @!p0 $0x0  }
0x63: {  	[sflag:s0] =	ssyncadd.s32 @!p0 s1  }
0x64: {  	[bflag:$0x3] =	sbarrier.arrive $0xFFFF  }
0x65: {  	_ =	shalt  }

</sc_bundles>
